<compile_context>
chip_gen: v7x
topology: tpu7x:2x2x1
jax: 0.10.2.dev20260603
libtpu: 0.0.44.dev20260713+nightly
codegen_flags: <defaults>
</compile_context>

<pallas_src>
import functools

import jax
import jax.numpy as jnp
from jax import lax
from jax.experimental import pallas as pl
from jax.experimental.pallas import tpu as pltpu
from jax.experimental.pallas import tpu_sc as plsc

_B, _T, _K, _L = 16, 256, 8, 1024
_H, _DE, _DF = 256, 64, 32
_V = 23
_NW = 32
_TB = 256
_TW = (_B * _T) // _NW


def _sc_gather(ee_tab, ct_flat):
    mesh = plsc.VectorSubcoreMesh(core_axis_name="c", subcore_axis_name="s")

    @functools.partial(
        pl.kernel,
        out_type=jax.ShapeDtypeStruct((_B, _K, 2, _TW, 128), jnp.float32),
        mesh=mesh,
        scratch_types=[
            pltpu.VMEM((_TW,), jnp.int32),
            pltpu.VMEM((_K, _TW), jnp.int32),
            pltpu.VMEM((2, _TW, 128), jnp.float32),
            pltpu.VMEM((2, _TW, 128), jnp.float32),
            pltpu.SemaphoreType.DMA,
            pltpu.SemaphoreType.DMA,
        ],
        compiler_params=pltpu.CompilerParams(use_tc_tiling_on_sc=True),
    )
    def k(ee_hbm, ct_hbm, ee_out, c_v, eidx_v, bufa_v, bufb_v, sema, semb):
        wid = lax.axis_index("s") * 2 + lax.axis_index("c")
        b = wid // 2
        half = wid % 2
        base_t = wid * _TW
        pltpu.sync_copy(ct_hbm.at[pl.ds(base_t, _TW)], c_v)
        for g in range(_TW // 16):
            c16 = c_v[pl.ds(g * 16, 16)]
            for kk in range(_K):
                eidx_v[kk, pl.ds(g * 16, 16)] = c16 + (b * _K + kk) * _L
        bufs = (bufa_v, bufb_v)
        sems = (sema, semb)
        pend = [None, None]
        for r in range(_K // 2):
            i = r % 2
            if pend[i] is not None:
                pr, cps = pend[i]
                for cp in cps:
                    cp.wait()
                pltpu.sync_copy(bufs[i], ee_out.at[b, pl.ds(pr * 2, 2), half])
            pend[i] = (r, [
                pltpu.async_copy(
                    ee_hbm.at[eidx_v.at[r * 2 + j]], bufs[i].at[j], sems[i])
                for j in range(2)
            ])
        for i in (0, 1):
            pr, cps = pend[i]
            for cp in cps:
                cp.wait()
            pltpu.sync_copy(bufs[i], ee_out.at[b, pl.ds(pr * 2, 2), half])

    return k(ee_tab, ct_flat)


def _tc_body(hs_ref, ee_ref, cf_ref, aa_ref, ct_ref, w1h_ref, w1e_ref,
             w1f_ref, b1_ref, w2_ref, p_ref, lam_ref):
    hs = hs_ref[0]
    a = jnp.dot(hs, w1h_ref[...], preferred_element_type=jnp.float32)
    rows = lax.broadcasted_iota(jnp.int32, (_TB, _TB), 0)
    cols = lax.broadcasted_iota(jnp.int32, (_TB, _TB), 1)
    eye = (rows == cols).astype(jnp.float32)
    ctf = ct_ref[0].astype(jnp.float32)
    ct_col = lax.dot_general(
        eye, ctf, (((1,), (1,)), ((), ())),
        preferred_element_type=jnp.float32)
    ll = lax.broadcasted_iota(jnp.int32, (_TB, _L), 1).astype(jnp.float32)
    onehot = (ll == ct_col).astype(jnp.float32)
    cfg = jnp.dot(onehot, cf_ref[0],
                  preferred_element_type=jnp.float32)
    c = jnp.dot(cfg, w1f_ref[...], preferred_element_type=jnp.float32)
    base = a + c + b1_ref[...]
    ee128 = ee_ref[0]
    e = jnp.dot(ee128.reshape(_K * _TB, 128), w1e_ref[...],
                preferred_element_type=jnp.float32)
    hid = jnp.maximum(e.reshape(_K, _TB, _H) + base[None], 0.0)
    scores = jnp.sum(hid * w2_ref[...][None], axis=-1)
    m = jnp.max(scores, axis=0, keepdims=True)
    ex = jnp.exp(scores - m)
    w = ex / jnp.sum(ex, axis=0, keepdims=True)
    lam_ref[0] = lax.dot_general(
        eye, w, (((1,), (1,)), ((), ())),
        preferred_element_type=jnp.float32)
    aaf = aa_ref[0].astype(jnp.float32)
    aag = lax.dot_general(
        aaf, onehot, (((1,), (1,)), ((), ())),
        preferred_element_type=jnp.float32)
    vv = lax.broadcasted_iota(jnp.int32, (_K, _TB, _V), 2).astype(jnp.float32)
    p_ref[0] = jnp.sum(
        jnp.where(aag[:, :, None] == vv, w[:, :, None], 0.0), axis=0)


def _tc_compute(hs_r, ee_r, cf_t, aa_t, ct_r, w1h, w1e, w1f, b1r, w2r):
    return pl.pallas_call(
        _tc_body,
        grid=(_B,),
        in_specs=[
            pl.BlockSpec((1, _TB, _H), lambda i: (i, 0, 0)),
            pl.BlockSpec((1, _K, _TB, 128), lambda i: (i, 0, 0, 0)),
            pl.BlockSpec((1, _L, _DF), lambda i: (i, 0, 0)),
            pl.BlockSpec((1, _K, _L), lambda i: (i, 0, 0)),
            pl.BlockSpec((1, 1, _TB), lambda i: (i, 0, 0)),
            pl.BlockSpec((_H, _H), lambda i: (0, 0)),
            pl.BlockSpec((128, _H), lambda i: (0, 0)),
            pl.BlockSpec((_DF, _H), lambda i: (0, 0)),
            pl.BlockSpec((1, _H), lambda i: (0, 0)),
            pl.BlockSpec((1, _H), lambda i: (0, 0)),
        ],
        out_specs=[
            pl.BlockSpec((1, _TB, _V), lambda i: (i, 0, 0)),
            pl.BlockSpec((1, _TB, _K), lambda i: (i, 0, 0)),
        ],
        out_shape=[
            jax.ShapeDtypeStruct((_B, _TB, _V), jnp.float32),
            jax.ShapeDtypeStruct((_B, _TB, _K), jnp.float32),
        ],
        compiler_params=pltpu.CompilerParams(
            dimension_semantics=("parallel",)),
    )(hs_r, ee_r, cf_t, aa_t, ct_r, w1h, w1e, w1f, b1r, w2r)


def kernel(hidden_states, exemplar_embeddings, column_features, c_t,
           exemplar_aa_ids, W1, b1, W2, b2):
    ee_tab = jnp.pad(exemplar_embeddings, ((0, 0), (0, 0), (0, 0), (0, 64))
                     ).reshape(_B * _K * _L, 128)
    ct_flat = c_t.reshape(_B * _T)

    ee_g = _sc_gather(ee_tab, ct_flat)

    hs_r = hidden_states.reshape(_B, _TB, _H)
    w1h = W1[:_H]
    w1e = jnp.pad(W1[_H:_H + _DE], ((0, 128 - _DE), (0, 0)))
    w1f = W1[_H + _DE:]
    b1r = b1.reshape(1, _H)
    w2r = W2.reshape(1, _H)

    p_blocks, lam_blocks = _tc_compute(
        hs_r, ee_g.reshape(_B, _K, _TB, 128), column_features,
        exemplar_aa_ids, ct_flat.reshape(_B, 1, _TB), w1h, w1e, w1f,
        b1r, w2r)
    return (p_blocks.reshape(_B, _T, _V), lam_blocks.reshape(_B, _T, _K))

# --- scband reference (transcript-rebuilt; emitter-appended) ---
"""Pipeline reference for scband-copy-head-90245852824125 (READ-ONLY COPY).

The authoritative reference and input builder live on the scoring server;
editing this copy changes nothing except your own understanding.
"""

import jax, jax.numpy as jnp
import numpy as np

B, T, K, L = 16, 256, 8, 1024
H, DE, DF = 256, 64, 32
V = 23


def setup_inputs(seed: int = 0) -> dict:
    key = jax.random.key(seed)
    ks = jax.random.split(key, 8)
    hidden_states = jax.random.normal(ks[0], (B, T, H), dtype=jnp.float32)
    exemplar_embeddings = jax.random.normal(ks[1], (B, K, L, DE), dtype=jnp.float32)
    column_features = jax.random.normal(ks[2], (B, L, DF), dtype=jnp.float32)
    c_t = jax.random.randint(ks[3], (B, T), 0, L, dtype=jnp.int32)
    exemplar_aa_ids = jax.random.randint(ks[4], (B, K, L), 0, V, dtype=jnp.int32)
    W1 = jax.random.normal(ks[5], (H + DE + DF, H), dtype=jnp.float32) * 0.02
    b1 = jnp.zeros((H,), dtype=jnp.float32)
    W2 = jax.random.normal(ks[6], (H, 1), dtype=jnp.float32) * 0.02
    b2 = jnp.zeros((1,), dtype=jnp.float32)
    return {
        'hidden_states': hidden_states,
        'exemplar_embeddings': exemplar_embeddings,
        'column_features': column_features,
        'c_t': c_t,
        'exemplar_aa_ids': exemplar_aa_ids,
        'W1': W1, 'b1': b1, 'W2': W2, 'b2': b2,
    }


def reference(hidden_states, exemplar_embeddings, column_features, c_t, exemplar_aa_ids, W1, b1, W2, b2):
    Bv, Tv, Hv = hidden_states.shape
    Kv = exemplar_embeddings.shape[1]
    mask = (c_t >= 0)
    c_safe = jnp.where(mask, c_t, 0)
    bidx = jnp.arange(Bv)[:, None]
    # gather per-position exemplar embeddings: [B, T, K, DE]
    ee = exemplar_embeddings[bidx, :, c_safe, :]
    # gather column features: [B, T, DF]
    cf = column_features[bidx, c_safe]
    h_exp = jnp.broadcast_to(hidden_states[:, :, None, :], (Bv, Tv, Kv, Hv))
    cf_exp = jnp.broadcast_to(cf[:, :, None, :], (Bv, Tv, Kv, cf.shape[-1]))
    features = jnp.concatenate([h_exp, ee, cf_exp], axis=-1)
    # exemplar_scorer MLP (dropout is identity in eval)
    hid = jax.nn.relu(features @ W1 + b1)
    scores = (hid @ W2 + b2)[..., 0]  # [B, T, K]
    weights = jax.nn.softmax(scores, axis=-1)
    m = mask[..., None].astype(weights.dtype)
    lambda_ik = weights * m
    # gather exemplar AA ids at mapped columns: [B, T, K]
    aa = exemplar_aa_ids[bidx, :, c_safe]
    bb = jnp.broadcast_to(jnp.arange(Bv)[:, None, None], aa.shape)
    tt = jnp.broadcast_to(jnp.arange(Tv)[None, :, None], aa.shape)
    p_copy = jnp.zeros((Bv, Tv, V), dtype=weights.dtype).at[bb, tt, aa].add(weights * m)
    return (p_copy, lambda_ik)

if __name__ == "__main__":
    import jax
    _d = setup_inputs()
    print(jax.jit(kernel)(*tuple(_d.values())))

</pallas_src>

<mosaic_0001>
#map = affine_map<(d0, d1) -> (0, 0)>
#map1 = affine_map<(d0, d1) -> (0)>
#map2 = affine_map<(d0, d1) -> (0, 0, 0, 0, 0)>
module attributes {stable_mosaic.version = 14 : i64} {
  func.func @k(%arg0: i32, %arg1: i32, %arg2: memref<131072x128xf32, #tpu.memory_space<hbm>>, %arg3: memref<4096xi32, #tpu.memory_space<hbm>>, %arg4: memref<16x8x2x128x128xf32, #tpu.memory_space<hbm>>, %arg5: memref<128xi32, #tpu.memory_space<vmem>>, %arg6: memref<8x128xi32, #tpu.memory_space<vmem>>, %arg7: memref<2x128x128xf32, #tpu.memory_space<vmem>>, %arg8: memref<2x128x128xf32, #tpu.memory_space<vmem>>, %arg9: memref<!tpu.dma_semaphore, #tpu.memory_space<semaphore_mem>>, %arg10: memref<!tpu.dma_semaphore, #tpu.memory_space<semaphore_mem>>) attributes {dimension_semantics = [#tpu.dimension_semantics<core_parallel>, #tpu.dimension_semantics<subcore_parallel>], iteration_bounds = array<i64: 2, 16>, scalar_prefetch = 0 : i64, scratch_operands = 6 : i64, tpu.core_type = #tpu.core_type<sc_vector_subcore>, window_params = [{transform_indices = #map}, {transform_indices = #map1}, {transform_indices = #map2}]} {
    %mul3A = arith.constant 2 : i32
    %mul3A_0 = arith.muli %arg1, %mul3A : i32
    %add3A = arith.addi %mul3A_0, %arg0 : i32
    %jit3A = arith.constant 2 : i32
    %div3A = arith.divsi %add3A, %jit3A : i32
    %sign3A = arith.constant 0 : i32
    %sign3A_1 = arith.cmpi sgt, %add3A, %sign3A : i32
    %sign3A_2 = arith.extui %sign3A_1 : i1 to i32
    %sign3A_3 = arith.constant 0 : i32
    %sign3A_4 = arith.cmpi slt, %add3A, %sign3A_3 : i32
    %sign3A_5 = arith.extui %sign3A_4 : i1 to i32
    %sign3A_6 = arith.subi %sign3A_2, %sign3A_5 : i32
    %sign3A_7 = arith.constant 0 : i32
    %sign3A_8 = arith.cmpi sgt, %jit3A, %sign3A_7 : i32
    %sign3A_9 = arith.extui %sign3A_8 : i1 to i32
    %sign3A_10 = arith.constant 0 : i32
    %sign3A_11 = arith.cmpi slt, %jit3A, %sign3A_10 : i32
    %sign3A_12 = arith.extui %sign3A_11 : i1 to i32
    %sign3A_13 = arith.subi %sign3A_9, %sign3A_12 : i32
    %ne3A = arith.cmpi ne, %sign3A_6, %sign3A_13 : i32
    %rem3A = arith.remsi %add3A, %jit3A : i32
    %ne3A_14 = arith.constant 0 : i32
    %ne3A_15 = arith.cmpi ne, %rem3A, %ne3A_14 : i32
    %and3A = arith.andi %ne3A, %ne3A_15 : i1
    %sub3A = arith.constant 1 : i32
    %sub3A_16 = arith.subi %div3A, %sub3A : i32
    %select_n3A = arith.select %and3A, %sub3A_16, %div3A : i32
    %jit3A_17 = arith.constant 2 : i32
    %eq3A = arith.constant 0 : i32
    %eq3A_18 = arith.cmpi eq, %jit3A_17, %eq3A : i32
    %jit3A_19 = arith.constant 1 : i32
    %select_n3A_20 = arith.select %eq3A_18, %jit3A_19, %jit3A_17 : i32
    %rem3A_21 = arith.remsi %add3A, %select_n3A_20 : i32
    %ne3A_22 = arith.constant 0 : i32
    %ne3A_23 = arith.cmpi ne, %rem3A_21, %ne3A_22 : i32
    %lt3A = arith.constant 0 : i32
    %lt3A_24 = arith.cmpi slt, %rem3A_21, %lt3A : i32
    %lt3A_25 = arith.constant 0 : i32
    %lt3A_26 = arith.cmpi slt, %select_n3A_20, %lt3A_25 : i32
    %ne3A_27 = arith.xori %lt3A_24, %lt3A_26 : i1
    %and3A_28 = arith.andi %ne3A_27, %ne3A_23 : i1
    %add3A_29 = arith.addi %rem3A_21, %select_n3A_20 : i32
    %select_n3A_30 = arith.select %and3A_28, %add3A_29, %rem3A_21 : i32
    %mul3A_31 = arith.constant 128 : i32
    %mul3A_32 = arith.muli %add3A, %mul3A_31 : i32
    "tpu.region"() ({
      %run_scoped3A = tpu.sem_alloc : memref<!tpu.dma_semaphore, #tpu.memory_space<semaphore_mem>>
      %dma_start3A_1141 = tpu.memref_slice %arg3[%mul3A_32] : memref<4096xi32, #tpu.memory_space<hbm>> -> memref<128xi32, #tpu.memory_space<hbm>>
      %dma_start3A_1142 = tpu.memref_slice %arg3[%mul3A_32] : memref<4096xi32, #tpu.memory_space<hbm>> -> memref<128xi32, #tpu.memory_space<hbm>>
      tpu.enqueue_dma source(%dma_start3A_1142 : memref<128xi32, #tpu.memory_space<hbm>>) target(%arg5 : memref<128xi32, #tpu.memory_space<vmem>>) target_semaphore(%run_scoped3A : memref<!tpu.dma_semaphore, #tpu.memory_space<semaphore_mem>>)
      %dma_wait3A_1143 = tpu.memref_slice %arg3[%mul3A_32] : memref<4096xi32, #tpu.memory_space<hbm>> -> memref<128xi32, #tpu.memory_space<hbm>>
      %dma_wait3A_1144 = tpu.memref_slice %arg3[%mul3A_32] : memref<4096xi32, #tpu.memory_space<hbm>> -> memref<128xi32, #tpu.memory_space<hbm>>
      tpu.wait_dma2 semaphore(%run_scoped3A : memref<!tpu.dma_semaphore, #tpu.memory_space<semaphore_mem>>) src(%dma_wait3A_1144 : memref<128xi32, #tpu.memory_space<hbm>>) dst(%arg5 : memref<128xi32, #tpu.memory_space<vmem>>)
      tpu.yield
    }) : () -> ()
    %get3A = arith.constant 0 : index
    %get3A_33 = tpu.vector_load %arg5[%get3A] {strides = array<i32>} : memref<128xi32, #tpu.memory_space<vmem>>, vector<16xi32>,
    %get3A_34 = vector.shape_cast %get3A_33 : vector<16xi32> to vector<16xi32>
    %mul3A_35 = arith.constant 8 : i32
    %mul3A_36 = arith.muli %select_n3A, %mul3A_35 : i32
    %add3A_37 = arith.constant 0 : i32
    %add3A_38 = arith.addi %mul3A_36, %add3A_37 : i32
    %mul3A_39 = arith.constant 1024 : i32
    %mul3A_40 = arith.muli %add3A_38, %mul3A_39 : i32
    %add3A_41 = vector.broadcast %mul3A_40 : i32 to vector<16xi32>
    %add3A_42 = arith.addi %get3A_34, %add3A_41 : vector<16xi32>
    %swap3A = arith.constant 0 : i32
    %swap3A_43 = arith.index_cast %swap3A : i32 to index
    %swap3A_44 = arith.constant 0 : index
    %swap3A_45 = tpu.vector_load %arg6[%swap3A_43, %swap3A_44] {strides = array<i32>} : memref<8x128xi32, #tpu.memory_space<vmem>>, vector<1x16xi32>,
    %swap3A_46 = vector.shape_cast %swap3A_45 : vector<1x16xi32> to vector<16xi32>
    %swap3A_47 = vector.shape_cast %add3A_42 : vector<16xi32> to vector<1x16xi32>
    tpu.vector_store %arg6[%swap3A_43, %swap3A_44], %swap3A_47 {strides = array<i32>} : memref<8x128xi32, #tpu.memory_space<vmem>>, vector<1x16xi32>,
    %mul3A_48 = arith.constant 8 : i32
    %mul3A_49 = arith.muli %select_n3A, %mul3A_48 : i32
    %add3A_50 = arith.constant 1 : i32
    %add3A_51 = arith.addi %mul3A_49, %add3A_50 : i32
    %mul3A_52 = arith.constant 1024 : i32
    %mul3A_53 = arith.muli %add3A_51, %mul3A_52 : i32
    %add3A_54 = vector.broadcast %mul3A_53 : i32 to vector<16xi32>
    %add3A_55 = arith.addi %get3A_34, %add3A_54 : vector<16xi32>
    %swap3A_56 = arith.constant 1 : i32
    %swap3A_57 = arith.index_cast %swap3A_56 : i32 to index
    %swap3A_58 = arith.constant 0 : index
    %swap3A_59 = tpu.vector_load %arg6[%swap3A_57, %swap3A_58] {strides = array<i32>} : memref<8x128xi32, #tpu.memory_space<vmem>>, vector<1x16xi32>,
    %swap3A_60 = vector.shape_cast %swap3A_59 : vector<1x16xi32> to vector<16xi32>
    %swap3A_61 = vector.shape_cast %add3A_55 : vector<16xi32> to vector<1x16xi32>
    tpu.vector_store %arg6[%swap3A_57, %swap3A_58], %swap3A_61 {strides = array<i32>} : memref<8x128xi32, #tpu.memory_space<vmem>>, vector<1x16xi32>,
    %mul3A_62 = arith.constant 8 : i32
    %mul3A_63 = arith.muli %select_n3A, %mul3A_62 : i32
    %add3A_64 = arith.constant 2 : i32
    %add3A_65 = arith.addi %mul3A_63, %add3A_64 : i32
    %mul3A_66 = arith.constant 1024 : i32
    %mul3A_67 = arith.muli %add3A_65, %mul3A_66 : i32
    %add3A_68 = vector.broadcast %mul3A_67 : i32 to vector<16xi32>
    %add3A_69 = arith.addi %get3A_34, %add3A_68 : vector<16xi32>
    %swap3A_70 = arith.constant 2 : i32
    %swap3A_71 = arith.index_cast %swap3A_70 : i32 to index
    %swap3A_72 = arith.constant 0 : index
    %swap3A_73 = tpu.vector_load %arg6[%swap3A_71, %swap3A_72] {strides = array<i32>} : memref<8x128xi32, #tpu.memory_space<vmem>>, vector<1x16xi32>,
    %swap3A_74 = vector.shape_cast %swap3A_73 : vector<1x16xi32> to vector<16xi32>
    %swap3A_75 = vector.shape_cast %add3A_69 : vector<16xi32> to vector<1x16xi32>
    tpu.vector_store %arg6[%swap3A_71, %swap3A_72], %swap3A_75 {strides = array<i32>} : memref<8x128xi32, #tpu.memory_space<vmem>>, vector<1x16xi32>,
    %mul3A_76 = arith.constant 8 : i32
    %mul3A_77 = arith.muli %select_n3A, %mul3A_76 : i32
    %add3A_78 = arith.constant 3 : i32
    %add3A_79 = arith.addi %mul3A_77, %add3A_78 : i32
    %mul3A_80 = arith.constant 1024 : i32
    %mul3A_81 = arith.muli %add3A_79, %mul3A_80 : i32
    %add3A_82 = vector.broadcast %mul3A_81 : i32 to vector<16xi32>
    %add3A_83 = arith.addi %get3A_34, %add3A_82 : vector<16xi32>
    %swap3A_84 = arith.constant 3 : i32
    %swap3A_85 = arith.index_cast %swap3A_84 : i32 to index
    %swap3A_86 = arith.constant 0 : index
    %swap3A_87 = tpu.vector_load %arg6[%swap3A_85, %swap3A_86] {strides = array<i32>} : memref<8x128xi32, #tpu.memory_space<vmem>>, vector<1x16xi32>,
    %swap3A_88 = vector.shape_cast %swap3A_87 : vector<1x16xi32> to vector<16xi32>
    %swap3A_89 = vector.shape_cast %add3A_83 : vector<16xi32> to vector<1x16xi32>
    tpu.vector_store %arg6[%swap3A_85, %swap3A_86], %swap3A_89 {strides = array<i32>} : memref<8x128xi32, #tpu.memory_space<vmem>>, vector<1x16xi32>,
    %mul3A_90 = arith.constant 8 : i32
    %mul3A_91 = arith.muli %select_n3A, %mul3A_90 : i32
    %add3A_92 = arith.constant 4 : i32
    %add3A_93 = arith.addi %mul3A_91, %add3A_92 : i32
    %mul3A_94 = arith.constant 1024 : i32
    %mul3A_95 = arith.muli %add3A_93, %mul3A_94 : i32
    %add3A_96 = vector.broadcast %mul3A_95 : i32 to vector<16xi32>
    %add3A_97 = arith.addi %get3A_34, %add3A_96 : vector<16xi32>
    %swap3A_98 = arith.constant 4 : i32
    %swap3A_99 = arith.index_cast %swap3A_98 : i32 to index
    %swap3A_100 = arith.constant 0 : index
    %swap3A_101 = tpu.vector_load %arg6[%swap3A_99, %swap3A_100] {strides = array<i32>} : memref<8x128xi32, #tpu.memory_space<vmem>>, vector<1x16xi32>,
    %swap3A_102 = vector.shape_cast %swap3A_101 : vector<1x16xi32> to vector<16xi32>
    %swap3A_103 = vector.shape_cast %add3A_97 : vector<16xi32> to vector<1x16xi32>
    tpu.vector_store %arg6[%swap3A_99, %swap3A_100], %swap3A_103 {strides = array<i32>} : memref<8x128xi32, #tpu.memory_space<vmem>>, vector<1x16xi32>,
    %mul3A_104 = arith.constant 8 : i32
    %mul3A_105 = arith.muli %select_n3A, %mul3A_104 : i32
    %add3A_106 = arith.constant 5 : i32
    %add3A_107 = arith.addi %mul3A_105, %add3A_106 : i32
    %mul3A_108 = arith.constant 1024 : i32
    %mul3A_109 = arith.muli %add3A_107, %mul3A_108 : i32
    %add3A_110 = vector.broadcast %mul3A_109 : i32 to vector<16xi32>
    %add3A_111 = arith.addi %get3A_34, %add3A_110 : vector<16xi32>
    %swap3A_112 = arith.constant 5 : i32
    %swap3A_113 = arith.index_cast %swap3A_112 : i32 to index
    %swap3A_114 = arith.constant 0 : index
    %swap3A_115 = tpu.vector_load %arg6[%swap3A_113, %swap3A_114] {strides = array<i32>} : memref<8x128xi32, #tpu.memory_space<vmem>>, vector<1x16xi32>,
    %swap3A_116 = vector.shape_cast %swap3A_115 : vector<1x16xi32> to vector<16xi32>
    %swap3A_117 = vector.shape_cast %add3A_111 : vector<16xi32> to vector<1x16xi32>
    tpu.vector_store %arg6[%swap3A_113, %swap3A_114], %swap3A_117 {strides = array<i32>} : memref<8x128xi32, #tpu.memory_space<vmem>>, vector<1x16xi32>,
    %mul3A_118 = arith.constant 8 : i32
    %mul3A_119 = arith.muli %select_n3A, %mul3A_118 : i32
    %add3A_120 = arith.constant 6 : i32
    %add3A_121 = arith.addi %mul3A_119, %add3A_120 : i32
    %mul3A_122 = arith.constant 1024 : i32
    %mul3A_123 = arith.muli %add3A_121, %mul3A_122 : i32
    %add3A_124 = vector.broadcast %mul3A_123 : i32 to vector<16xi32>
    %add3A_125 = arith.addi %get3A_34, %add3A_124 : vector<16xi32>
    %swap3A_126 = arith.constant 6 : i32
    %swap3A_127 = arith.index_cast %swap3A_126 : i32 to index
    %swap3A_128 = arith.constant 0 : index
    %swap3A_129 = tpu.vector_load %arg6[%swap3A_127, %swap3A_128] {strides = array<i32>} : memref<8x128xi32, #tpu.memory_space<vmem>>, vector<1x16xi32>,
    %swap3A_130 = vector.shape_cast %swap3A_129 : vector<1x16xi32> to vector<16xi32>
    %swap3A_131 = vector.shape_cast %add3A_125 : vector<16xi32> to vector<1x16xi32>
    tpu.vector_store %arg6[%swap3A_127, %swap3A_128], %swap3A_131 {strides = array<i32>} : memref<8x128xi32, #tpu.memory_space<vmem>>, vector<1x16xi32>,
    %mul3A_132 = arith.constant 8 : i32
    %mul3A_133 = arith.muli %select_n3A, %mul3A_132 : i32
    %add3A_134 = arith.constant 7 : i32
    %add3A_135 = arith.addi %mul3A_133, %add3A_134 : i32
    %mul3A_136 = arith.constant 1024 : i32
    %mul3A_137 = arith.muli %add3A_135, %mul3A_136 : i32
    %add3A_138 = vector.broadcast %mul3A_137 : i32 to vector<16xi32>
    %add3A_139 = arith.addi %get3A_34, %add3A_138 : vector<16xi32>
    %swap3A_140 = arith.constant 7 : i32
    %swap3A_141 = arith.index_cast %swap3A_140 : i32 to index
    %swap3A_142 = arith.constant 0 : index
    %swap3A_143 = tpu.vector_load %arg6[%swap3A_141, %swap3A_142] {strides = array<i32>} : memref<8x128xi32, #tpu.memory_space<vmem>>, vector<1x16xi32>,
    %swap3A_144 = vector.shape_cast %swap3A_143 : vector<1x16xi32> to vector<16xi32>
    %swap3A_145 = vector.shape_cast %add3A_139 : vector<16xi32> to vector<1x16xi32>
    tpu.vector_store %arg6[%swap3A_141, %swap3A_142], %swap3A_145 {strides = array<i32>} : memref<8x128xi32, #tpu.memory_space<vmem>>, vector<1x16xi32>,
    %get3A_146 = arith.constant 16 : index
    %get3A_147 = tpu.vector_load %arg5[%get3A_146] {strides = array<i32>} : memref<128xi32, #tpu.memory_space<vmem>>, vector<16xi32>,
    %get3A_148 = vector.shape_cast %get3A_147 : vector<16xi32> to vector<16xi32>
    %mul3A_149 = arith.constant 8 : i32
    %mul3A_150 = arith.muli %select_n3A, %mul3A_149 : i32
    %add3A_151 = arith.constant 0 : i32
    %add3A_152 = arith.addi %mul3A_150, %add3A_151 : i32
    %mul3A_153 = arith.constant 1024 : i32
    %mul3A_154 = arith.muli %add3A_152, %mul3A_153 : i32
    %add3A_155 = vector.broadcast %mul3A_154 : i32 to vector<16xi32>
    %add3A_156 = arith.addi %get3A_148, %add3A_155 : vector<16xi32>
    %swap3A_157 = arith.constant 0 : i32
    %swap3A_158 = arith.index_cast %swap3A_157 : i32 to index
    %swap3A_159 = arith.constant 16 : index
    %swap3A_160 = tpu.vector_load %arg6[%swap3A_158, %swap3A_159] {strides = array<i32>} : memref<8x128xi32, #tpu.memory_space<vmem>>, vector<1x16xi32>,
    %swap3A_161 = vector.shape_cast %swap3A_160 : vector<1x16xi32> to vector<16xi32>
    %swap3A_162 = vector.shape_cast %add3A_156 : vector<16xi32> to vector<1x16xi32>
    tpu.vector_store %arg6[%swap3A_158, %swap3A_159], %swap3A_162 {strides = array<i32>} : memref<8x128xi32, #tpu.memory_space<vmem>>, vector<1x16xi32>,
    %mul3A_163 = arith.constant 8 : i32
    %mul3A_164 = arith.muli %select_n3A, %mul3A_163 : i32
    %add3A_165 = arith.constant 1 : i32
    %add3A_166 = arith.addi %mul3A_164, %add3A_165 : i32
    %mul3A_167 = arith.constant 1024 : i32
    %mul3A_168 = arith.muli %add3A_166, %mul3A_167 : i32
    %add3A_169 = vector.broadcast %mul3A_168 : i32 to vector<16xi32>
    %add3A_170 = arith.addi %get3A_148, %add3A_169 : vector<16xi32>
    %swap3A_171 = arith.constant 1 : i32
    %swap3A_172 = arith.index_cast %swap3A_171 : i32 to index
    %swap3A_173 = arith.constant 16 : index
    %swap3A_174 = tpu.vector_load %arg6[%swap3A_172, %swap3A_173] {strides = array<i32>} : memref<8x128xi32, #tpu.memory_space<vmem>>, vector<1x16xi32>,
    %swap3A_175 = vector.shape_cast %swap3A_174 : vector<1x16xi32> to vector<16xi32>
    %swap3A_176 = vector.shape_cast %add3A_170 : vector<16xi32> to vector<1x16xi32>
    tpu.vector_store %arg6[%swap3A_172, %swap3A_173], %swap3A_176 {strides = array<i32>} : memref<8x128xi32, #tpu.memory_space<vmem>>, vector<1x16xi32>,
    %mul3A_177 = arith.constant 8 : i32
    %mul3A_178 = arith.muli %select_n3A, %mul3A_177 : i32
    %add3A_179 = arith.constant 2 : i32
    %add3A_180 = arith.addi %mul3A_178, %add3A_179 : i32
    %mul3A_181 = arith.constant 1024 : i32
    %mul3A_182 = arith.muli %add3A_180, %mul3A_181 : i32
    %add3A_183 = vector.broadcast %mul3A_182 : i32 to vector<16xi32>
    %add3A_184 = arith.addi %get3A_148, %add3A_183 : vector<16xi32>
    %swap3A_185 = arith.constant 2 : i32
    %swap3A_186 = arith.index_cast %swap3A_185 : i32 to index
    %swap3A_187 = arith.constant 16 : index
    %swap3A_188 = tpu.vector_load %arg6[%swap3A_186, %swap3A_187] {strides = array<i32>} : memref<8x128xi32, #tpu.memory_space<vmem>>, vector<1x16xi32>,
    %swap3A_189 = vector.shape_cast %swap3A_188 : vector<1x16xi32> to vector<16xi32>
    %swap3A_190 = vector.shape_cast %add3A_184 : vector<16xi32> to vector<1x16xi32>
    tpu.vector_store %arg6[%swap3A_186, %swap3A_187], %swap3A_190 {strides = array<i32>} : memref<8x128xi32, #tpu.memory_space<vmem>>, vector<1x16xi32>,
    %mul3A_191 = arith.constant 8 : i32
    %mul3A_192 = arith.muli %select_n3A, %mul3A_191 : i32
    %add3A_193 = arith.constant 3 : i32
    %add3A_194 = arith.addi %mul3A_192, %add3A_193 : i32
    %mul3A_195 = arith.constant 1024 : i32
    %mul3A_196 = arith.muli %add3A_194, %mul3A_195 : i32
    %add3A_197 = vector.broadcast %mul3A_196 : i32 to vector<16xi32>
    %add3A_198 = arith.addi %get3A_148, %add3A_197 : vector<16xi32>
    %swap3A_199 = arith.constant 3 : i32
    %swap3A_200 = arith.index_cast %swap3A_199 : i32 to index
    %swap3A_201 = arith.constant 16 : index
    %swap3A_202 = tpu.vector_load %arg6[%swap3A_200, %swap3A_201] {strides = array<i32>} : memref<8x128xi32, #tpu.memory_space<vmem>>, vector<1x16xi32>,
    %swap3A_203 = vector.shape_cast %swap3A_202 : vector<1x16xi32> to vector<16xi32>
    %swap3A_204 = vector.shape_cast %add3A_198 : vector<16xi32> to vector<1x16xi32>
    tpu.vector_store %arg6[%swap3A_200, %swap3A_201], %swap3A_204 {strides = array<i32>} : memref<8x128xi32, #tpu.memory_space<vmem>>, vector<1x16xi32>,
    %mul3A_205 = arith.constant 8 : i32
    %mul3A_206 = arith.muli %select_n3A, %mul3A_205 : i32
    %add3A_207 = arith.constant 4 : i32
    %add3A_208 = arith.addi %mul3A_206, %add3A_207 : i32
    %mul3A_209 = arith.constant 1024 : i32
    %mul3A_210 = arith.muli %add3A_208, %mul3A_209 : i32
    %add3A_211 = vector.broadcast %mul3A_210 : i32 to vector<16xi32>
    %add3A_212 = arith.addi %get3A_148, %add3A_211 : vector<16xi32>
    %swap3A_213 = arith.constant 4 : i32
    %swap3A_214 = arith.index_cast %swap3A_213 : i32 to index
    %swap3A_215 = arith.constant 16 : index
    %swap3A_216 = tpu.vector_load %arg6[%swap3A_214, %swap3A_215] {strides = array<i32>} : memref<8x128xi32, #tpu.memory_space<vmem>>, vector<1x16xi32>,
    %swap3A_217 = vector.shape_cast %swap3A_216 : vector<1x16xi32> to vector<16xi32>
    %swap3A_218 = vector.shape_cast %add3A_212 : vector<16xi32> to vector<1x16xi32>
    tpu.vector_store %arg6[%swap3A_214, %swap3A_215], %swap3A_218 {strides = array<i32>} : memref<8x128xi32, #tpu.memory_space<vmem>>, vector<1x16xi32>,
    %mul3A_219 = arith.constant 8 : i32
    %mul3A_220 = arith.muli %select_n3A, %mul3A_219 : i32
    %add3A_221 = arith.constant 5 : i32
    %add3A_222 = arith.addi %mul3A_220, %add3A_221 : i32
    %mul3A_223 = arith.constant 1024 : i32
    %mul3A_224 = arith.muli %add3A_222, %mul3A_223 : i32
    %add3A_225 = vector.broadcast %mul3A_224 : i32 to vector<16xi32>
    %add3A_226 = arith.addi %get3A_148, %add3A_225 : vector<16xi32>
    %swap3A_227 = arith.constant 5 : i32
    %swap3A_228 = arith.index_cast %swap3A_227 : i32 to index
    %swap3A_229 = arith.constant 16 : index
    %swap3A_230 = tpu.vector_load %arg6[%swap3A_228, %swap3A_229] {strides = array<i32>} : memref<8x128xi32, #tpu.memory_space<vmem>>, vector<1x16xi32>,
    %swap3A_231 = vector.shape_cast %swap3A_230 : vector<1x16xi32> to vector<16xi32>
    %swap3A_232 = vector.shape_cast %add3A_226 : vector<16xi32> to vector<1x16xi32>
    tpu.vector_store %arg6[%swap3A_228, %swap3A_229], %swap3A_232 {strides = array<i32>} : memref<8x128xi32, #tpu.memory_space<vmem>>, vector<1x16xi32>,
    %mul3A_233 = arith.constant 8 : i32
    %mul3A_234 = arith.muli %select_n3A, %mul3A_233 : i32
    %add3A_235 = arith.constant 6 : i32
    %add3A_236 = arith.addi %mul3A_234, %add3A_235 : i32
    %mul3A_237 = arith.constant 1024 : i32
    %mul3A_238 = arith.muli %add3A_236, %mul3A_237 : i32
    %add3A_239 = vector.broadcast %mul3A_238 : i32 to vector<16xi32>
    %add3A_240 = arith.addi %get3A_148, %add3A_239 : vector<16xi32>
    %swap3A_241 = arith.constant 6 : i32
    %swap3A_242 = arith.index_cast %swap3A_241 : i32 to index
    %swap3A_243 = arith.constant 16 : index
    %swap3A_244 = tpu.vector_load %arg6[%swap3A_242, %swap3A_243] {strides = array<i32>} : memref<8x128xi32, #tpu.memory_space<vmem>>, vector<1x16xi32>,
    %swap3A_245 = vector.shape_cast %swap3A_244 : vector<1x16xi32> to vector<16xi32>
    %swap3A_246 = vector.shape_cast %add3A_240 : vector<16xi32> to vector<1x16xi32>
    tpu.vector_store %arg6[%swap3A_242, %swap3A_243], %swap3A_246 {strides = array<i32>} : memref<8x128xi32, #tpu.memory_space<vmem>>, vector<1x16xi32>,
    %mul3A_247 = arith.constant 8 : i32
    %mul3A_248 = arith.muli %select_n3A, %mul3A_247 : i32
    %add3A_249 = arith.constant 7 : i32
    %add3A_250 = arith.addi %mul3A_248, %add3A_249 : i32
    %mul3A_251 = arith.constant 1024 : i32
    %mul3A_252 = arith.muli %add3A_250, %mul3A_251 : i32
    %add3A_253 = vector.broadcast %mul3A_252 : i32 to vector<16xi32>
    %add3A_254 = arith.addi %get3A_148, %add3A_253 : vector<16xi32>
    %swap3A_255 = arith.constant 7 : i32
    %swap3A_256 = arith.index_cast %swap3A_255 : i32 to index
    %swap3A_257 = arith.constant 16 : index
    %swap3A_258 = tpu.vector_load %arg6[%swap3A_256, %swap3A_257] {strides = array<i32>} : memref<8x128xi32, #tpu.memory_space<vmem>>, vector<1x16xi32>,
    %swap3A_259 = vector.shape_cast %swap3A_258 : vector<1x16xi32> to vector<16xi32>
    %swap3A_260 = vector.shape_cast %add3A_254 : vector<16xi32> to vector<1x16xi32>
    tpu.vector_store %arg6[%swap3A_256, %swap3A_257], %swap3A_260 {strides = array<i32>} : memref<8x128xi32, #tpu.memory_space<vmem>>, vector<1x16xi32>,
    %get3A_261 = arith.constant 32 : index
    %get3A_262 = tpu.vector_load %arg5[%get3A_261] {strides = array<i32>} : memref<128xi32, #tpu.memory_space<vmem>>, vector<16xi32>,
    %get3A_263 = vector.shape_cast %get3A_262 : vector<16xi32> to vector<16xi32>
    %mul3A_264 = arith.constant 8 : i32
    %mul3A_265 = arith.muli %select_n3A, %mul3A_264 : i32
    %add3A_266 = arith.constant 0 : i32
    %add3A_267 = arith.addi %mul3A_265, %add3A_266 : i32
    %mul3A_268 = arith.constant 1024 : i32
    %mul3A_269 = arith.muli %add3A_267, %mul3A_268 : i32
    %add3A_270 = vector.broadcast %mul3A_269 : i32 to vector<16xi32>
    %add3A_271 = arith.addi %get3A_263, %add3A_270 : vector<16xi32>
    %swap3A_272 = arith.constant 0 : i32
    %swap3A_273 = arith.index_cast %swap3A_272 : i32 to index
    %swap3A_274 = arith.constant 32 : index
    %swap3A_275 = tpu.vector_load %arg6[%swap3A_273, %swap3A_274] {strides = array<i32>} : memref<8x128xi32, #tpu.memory_space<vmem>>, vector<1x16xi32>,
    %swap3A_276 = vector.shape_cast %swap3A_275 : vector<1x16xi32> to vector<16xi32>
    %swap3A_277 = vector.shape_cast %add3A_271 : vector<16xi32> to vector<1x16xi32>
    tpu.vector_store %arg6[%swap3A_273, %swap3A_274], %swap3A_277 {strides = array<i32>} : memref<8x128xi32, #tpu.memory_space<vmem>>, vector<1x16xi32>,
    %mul3A_278 = arith.constant 8 : i32
    %mul3A_279 = arith.muli %select_n3A, %mul3A_278 : i32
    %add3A_280 = arith.constant 1 : i32
    %add3A_281 = arith.addi %mul3A_279, %add3A_280 : i32
    %mul3A_282 = arith.constant 1024 : i32
    %mul3A_283 = arith.muli %add3A_281, %mul3A_282 : i32
    %add3A_284 = vector.broadcast %mul3A_283 : i32 to vector<16xi32>
    %add3A_285 = arith.addi %get3A_263, %add3A_284 : vector<16xi32>
    %swap3A_286 = arith.constant 1 : i32
    %swap3A_287 = arith.index_cast %swap3A_286 : i32 to index
    %swap3A_288 = arith.constant 32 : index
    %swap3A_289 = tpu.vector_load %arg6[%swap3A_287, %swap3A_288] {strides = array<i32>} : memref<8x128xi32, #tpu.memory_space<vmem>>, vector<1x16xi32>,
    %swap3A_290 = vector.shape_cast %swap3A_289 : vector<1x16xi32> to vector<16xi32>
    %swap3A_291 = vector.shape_cast %add3A_285 : vector<16xi32> to vector<1x16xi32>
    tpu.vector_store %arg6[%swap3A_287, %swap3A_288], %swap3A_291 {strides = array<i32>} : memref<8x128xi32, #tpu.memory_space<vmem>>, vector<1x16xi32>,
    %mul3A_292 = arith.constant 8 : i32
    %mul3A_293 = arith.muli %select_n3A, %mul3A_292 : i32
    %add3A_294 = arith.constant 2 : i32
    %add3A_295 = arith.addi %mul3A_293, %add3A_294 : i32
    %mul3A_296 = arith.constant 1024 : i32
    %mul3A_297 = arith.muli %add3A_295, %mul3A_296 : i32
    %add3A_298 = vector.broadcast %mul3A_297 : i32 to vector<16xi32>
    %add3A_299 = arith.addi %get3A_263, %add3A_298 : vector<16xi32>
    %swap3A_300 = arith.constant 2 : i32
    %swap3A_301 = arith.index_cast %swap3A_300 : i32 to index
    %swap3A_302 = arith.constant 32 : index
    %swap3A_303 = tpu.vector_load %arg6[%swap3A_301, %swap3A_302] {strides = array<i32>} : memref<8x128xi32, #tpu.memory_space<vmem>>, vector<1x16xi32>,
    %swap3A_304 = vector.shape_cast %swap3A_303 : vector<1x16xi32> to vector<16xi32>
    %swap3A_305 = vector.shape_cast %add3A_299 : vector<16xi32> to vector<1x16xi32>
    tpu.vector_store %arg6[%swap3A_301, %swap3A_302], %swap3A_305 {strides = array<i32>} : memref<8x128xi32, #tpu.memory_space<vmem>>, vector<1x16xi32>,
    %mul3A_306 = arith.constant 8 : i32
    %mul3A_307 = arith.muli %select_n3A, %mul3A_306 : i32
    %add3A_308 = arith.constant 3 : i32
    %add3A_309 = arith.addi %mul3A_307, %add3A_308 : i32
    %mul3A_310 = arith.constant 1024 : i32
    %mul3A_311 = arith.muli %add3A_309, %mul3A_310 : i32
    %add3A_312 = vector.broadcast %mul3A_311 : i32 to vector<16xi32>
    %add3A_313 = arith.addi %get3A_263, %add3A_312 : vector<16xi32>
    %swap3A_314 = arith.constant 3 : i32
    %swap3A_315 = arith.index_cast %swap3A_314 : i32 to index
    %swap3A_316 = arith.constant 32 : index
    %swap3A_317 = tpu.vector_load %arg6[%swap3A_315, %swap3A_316] {strides = array<i32>} : memref<8x128xi32, #tpu.memory_space<vmem>>, vector<1x16xi32>,
    %swap3A_318 = vector.shape_cast %swap3A_317 : vector<1x16xi32> to vector<16xi32>
    %swap3A_319 = vector.shape_cast %add3A_313 : vector<16xi32> to vector<1x16xi32>
    tpu.vector_store %arg6[%swap3A_315, %swap3A_316], %swap3A_319 {strides = array<i32>} : memref<8x128xi32, #tpu.memory_space<vmem>>, vector<1x16xi32>,
    %mul3A_320 = arith.constant 8 : i32
    %mul3A_321 = arith.muli %select_n3A, %mul3A_320 : i32
    %add3A_322 = arith.constant 4 : i32
    %add3A_323 = arith.addi %mul3A_321, %add3A_322 : i32
    %mul3A_324 = arith.constant 1024 : i32
    %mul3A_325 = arith.muli %add3A_323, %mul3A_324 : i32
    %add3A_326 = vector.broadcast %mul3A_325 : i32 to vector<16xi32>
    %add3A_327 = arith.addi %get3A_263, %add3A_326 : vector<16xi32>
    %swap3A_328 = arith.constant 4 : i32
    %swap3A_329 = arith.index_cast %swap3A_328 : i32 to index
    %swap3A_330 = arith.constant 32 : index
    %swap3A_331 = tpu.vector_load %arg6[%swap3A_329, %swap3A_330] {strides = array<i32>} : memref<8x128xi32, #tpu.memory_space<vmem>>, vector<1x16xi32>,
    %swap3A_332 = vector.shape_cast %swap3A_331 : vector<1x16xi32> to vector<16xi32>
    %swap3A_333 = vector.shape_cast %add3A_327 : vector<16xi32> to vector<1x16xi32>
    tpu.vector_store %arg6[%swap3A_329, %swap3A_330], %swap3A_333 {strides = array<i32>} : memref<8x128xi32, #tpu.memory_space<vmem>>, vector<1x16xi32>,
    %mul3A_334 = arith.constant 8 : i32
    %mul3A_335 = arith.muli %select_n3A, %mul3A_334 : i32
    %add3A_336 = arith.constant 5 : i32
    %add3A_337 = arith.addi %mul3A_335, %add3A_336 : i32
    %mul3A_338 = arith.constant 1024 : i32
    %mul3A_339 = arith.muli %add3A_337, %mul3A_338 : i32
    %add3A_340 = vector.broadcast %mul3A_339 : i32 to vector<16xi32>
    %add3A_341 = arith.addi %get3A_263, %add3A_340 : vector<16xi32>
    %swap3A_342 = arith.constant 5 : i32
    %swap3A_343 = arith.index_cast %swap3A_342 : i32 to index
    %swap3A_344 = arith.constant 32 : index
    %swap3A_345 = tpu.vector_load %arg6[%swap3A_343, %swap3A_344] {strides = array<i32>} : memref<8x128xi32, #tpu.memory_space<vmem>>, vector<1x16xi32>,
    %swap3A_346 = vector.shape_cast %swap3A_345 : vector<1x16xi32> to vector<16xi32>
    %swap3A_347 = vector.shape_cast %add3A_341 : vector<16xi32> to vector<1x16xi32>
    tpu.vector_store %arg6[%swap3A_343, %swap3A_344], %swap3A_347 {strides = array<i32>} : memref<8x128xi32, #tpu.memory_space<vmem>>, vector<1x16xi32>,
    %mul3A_348 = arith.constant 8 : i32
    %mul3A_349 = arith.muli %select_n3A, %mul3A_348 : i32
    %add3A_350 = arith.constant 6 : i32
    %add3A_351 = arith.addi %mul3A_349, %add3A_350 : i32
    %mul3A_352 = arith.constant 1024 : i32
    %mul3A_353 = arith.muli %add3A_351, %mul3A_352 : i32
    %add3A_354 = vector.broadcast %mul3A_353 : i32 to vector<16xi32>
    %add3A_355 = arith.addi %get3A_263, %add3A_354 : vector<16xi32>
    %swap3A_356 = arith.constant 6 : i32
    %swap3A_357 = arith.index_cast %swap3A_356 : i32 to index
    %swap3A_358 = arith.constant 32 : index
    %swap3A_359 = tpu.vector_load %arg6[%swap3A_357, %swap3A_358] {strides = array<i32>} : memref<8x128xi32, #tpu.memory_space<vmem>>, vector<1x16xi32>,
    %swap3A_360 = vector.shape_cast %swap3A_359 : vector<1x16xi32> to vector<16xi32>
    %swap3A_361 = vector.shape_cast %add3A_355 : vector<16xi32> to vector<1x16xi32>
    tpu.vector_store %arg6[%swap3A_357, %swap3A_358], %swap3A_361 {strides = array<i32>} : memref<8x128xi32, #tpu.memory_space<vmem>>, vector<1x16xi32>,
    %mul3A_362 = arith.constant 8 : i32
    %mul3A_363 = arith.muli %select_n3A, %mul3A_362 : i32
    %add3A_364 = arith.constant 7 : i32
    %add3A_365 = arith.addi %mul3A_363, %add3A_364 : i32
    %mul3A_366 = arith.constant 1024 : i32
    %mul3A_367 = arith.muli %add3A_365, %mul3A_366 : i32
    %add3A_368 = vector.broadcast %mul3A_367 : i32 to vector<16xi32>
    %add3A_369 = arith.addi %get3A_263, %add3A_368 : vector<16xi32>
    %swap3A_370 = arith.constant 7 : i32
    %swap3A_371 = arith.index_cast %swap3A_370 : i32 to index
    %swap3A_372 = arith.constant 32 : index
    %swap3A_373 = tpu.vector_load %arg6[%swap3A_371, %swap3A_372] {strides = array<i32>} : memref<8x128xi32, #tpu.memory_space<vmem>>, vector<1x16xi32>,
    %swap3A_374 = vector.shape_cast %swap3A_373 : vector<1x16xi32> to vector<16xi32>
    %swap3A_375 = vector.shape_cast %add3A_369 : vector<16xi32> to vector<1x16xi32>
    tpu.vector_store %arg6[%swap3A_371, %swap3A_372], %swap3A_375 {strides = array<i32>} : memref<8x128xi32, #tpu.memory_space<vmem>>, vector<1x16xi32>,
    %get3A_376 = arith.constant 48 : index
    %get3A_377 = tpu.vector_load %arg5[%get3A_376] {strides = array<i32>} : memref<128xi32, #tpu.memory_space<vmem>>, vector<16xi32>,
    %get3A_378 = vector.shape_cast %get3A_377 : vector<16xi32> to vector<16xi32>
    %mul3A_379 = arith.constant 8 : i32
    %mul3A_380 = arith.muli %select_n3A, %mul3A_379 : i32
    %add3A_381 = arith.constant 0 : i32
    %add3A_382 = arith.addi %mul3A_380, %add3A_381 : i32
    %mul3A_383 = arith.constant 1024 : i32
    %mul3A_384 = arith.muli %add3A_382, %mul3A_383 : i32
    %add3A_385 = vector.broadcast %mul3A_384 : i32 to vector<16xi32>
    %add3A_386 = arith.addi %get3A_378, %add3A_385 : vector<16xi32>
    %swap3A_387 = arith.constant 0 : i32
    %swap3A_388 = arith.index_cast %swap3A_387 : i32 to index
    %swap3A_389 = arith.constant 48 : index
    %swap3A_390 = tpu.vector_load %arg6[%swap3A_388, %swap3A_389] {strides = array<i32>} : memref<8x128xi32, #tpu.memory_space<vmem>>, vector<1x16xi32>,
    %swap3A_391 = vector.shape_cast %swap3A_390 : vector<1x16xi32> to vector<16xi32>
    %swap3A_392 = vector.shape_cast %add3A_386 : vector<16xi32> to vector<1x16xi32>
    tpu.vector_store %arg6[%swap3A_388, %swap3A_389], %swap3A_392 {strides = array<i32>} : memref<8x128xi32, #tpu.memory_space<vmem>>, vector<1x16xi32>,
    %mul3A_393 = arith.constant 8 : i32
    %mul3A_394 = arith.muli %select_n3A, %mul3A_393 : i32
    %add3A_395 = arith.constant 1 : i32
    %add3A_396 = arith.addi %mul3A_394, %add3A_395 : i32
    %mul3A_397 = arith.constant 1024 : i32
    %mul3A_398 = arith.muli %add3A_396, %mul3A_397 : i32
    %add3A_399 = vector.broadcast %mul3A_398 : i32 to vector<16xi32>
    %add3A_400 = arith.addi %get3A_378, %add3A_399 : vector<16xi32>
    %swap3A_401 = arith.constant 1 : i32
    %swap3A_402 = arith.index_cast %swap3A_401 : i32 to index
    %swap3A_403 = arith.constant 48 : index
    %swap3A_404 = tpu.vector_load %arg6[%swap3A_402, %swap3A_403] {strides = array<i32>} : memref<8x128xi32, #tpu.memory_space<vmem>>, vector<1x16xi32>,
    %swap3A_405 = vector.shape_cast %swap3A_404 : vector<1x16xi32> to vector<16xi32>
    %swap3A_406 = vector.shape_cast %add3A_400 : vector<16xi32> to vector<1x16xi32>
    tpu.vector_store %arg6[%swap3A_402, %swap3A_403], %swap3A_406 {strides = array<i32>} : memref<8x128xi32, #tpu.memory_space<vmem>>, vector<1x16xi32>,
    %mul3A_407 = arith.constant 8 : i32
    %mul3A_408 = arith.muli %select_n3A, %mul3A_407 : i32
    %add3A_409 = arith.constant 2 : i32
    %add3A_410 = arith.addi %mul3A_408, %add3A_409 : i32
    %mul3A_411 = arith.constant 1024 : i32
    %mul3A_412 = arith.muli %add3A_410, %mul3A_411 : i32
    %add3A_413 = vector.broadcast %mul3A_412 : i32 to vector<16xi32>
    %add3A_414 = arith.addi %get3A_378, %add3A_413 : vector<16xi32>
    %swap3A_415 = arith.constant 2 : i32
    %swap3A_416 = arith.index_cast %swap3A_415 : i32 to index
    %swap3A_417 = arith.constant 48 : index
    %swap3A_418 = tpu.vector_load %arg6[%swap3A_416, %swap3A_417] {strides = array<i32>} : memref<8x128xi32, #tpu.memory_space<vmem>>, vector<1x16xi32>,
    %swap3A_419 = vector.shape_cast %swap3A_418 : vector<1x16xi32> to vector<16xi32>
    %swap3A_420 = vector.shape_cast %add3A_414 : vector<16xi32> to vector<1x16xi32>
    tpu.vector_store %arg6[%swap3A_416, %swap3A_417], %swap3A_420 {strides = array<i32>} : memref<8x128xi32, #tpu.memory_space<vmem>>, vector<1x16xi32>,
    %mul3A_421 = arith.constant 8 : i32
    %mul3A_422 = arith.muli %select_n3A, %mul3A_421 : i32
    %add3A_423 = arith.constant 3 : i32
    %add3A_424 = arith.addi %mul3A_422, %add3A_423 : i32
    %mul3A_425 = arith.constant 1024 : i32
    %mul3A_426 = arith.muli %add3A_424, %mul3A_425 : i32
    %add3A_427 = vector.broadcast %mul3A_426 : i32 to vector<16xi32>
    %add3A_428 = arith.addi %get3A_378, %add3A_427 : vector<16xi32>
    %swap3A_429 = arith.constant 3 : i32
    %swap3A_430 = arith.index_cast %swap3A_429 : i32 to index
    %swap3A_431 = arith.constant 48 : index
    %swap3A_432 = tpu.vector_load %arg6[%swap3A_430, %swap3A_431] {strides = array<i32>} : memref<8x128xi32, #tpu.memory_space<vmem>>, vector<1x16xi32>,
    %swap3A_433 = vector.shape_cast %swap3A_432 : vector<1x16xi32> to vector<16xi32>
    %swap3A_434 = vector.shape_cast %add3A_428 : vector<16xi32> to vector<1x16xi32>
    tpu.vector_store %arg6[%swap3A_430, %swap3A_431], %swap3A_434 {strides = array<i32>} : memref<8x128xi32, #tpu.memory_space<vmem>>, vector<1x16xi32>,
    %mul3A_435 = arith.constant 8 : i32
    %mul3A_436 = arith.muli %select_n3A, %mul3A_435 : i32
    %add3A_437 = arith.constant 4 : i32
    %add3A_438 = arith.addi %mul3A_436, %add3A_437 : i32
    %mul3A_439 = arith.constant 1024 : i32
    %mul3A_440 = arith.muli %add3A_438, %mul3A_439 : i32
    %add3A_441 = vector.broadcast %mul3A_440 : i32 to vector<16xi32>
    %add3A_442 = arith.addi %get3A_378, %add3A_441 : vector<16xi32>
    %swap3A_443 = arith.constant 4 : i32
    %swap3A_444 = arith.index_cast %swap3A_443 : i32 to index
    %swap3A_445 = arith.constant 48 : index
    %swap3A_446 = tpu.vector_load %arg6[%swap3A_444, %swap3A_445] {strides = array<i32>} : memref<8x128xi32, #tpu.memory_space<vmem>>, vector<1x16xi32>,
    %swap3A_447 = vector.shape_cast %swap3A_446 : vector<1x16xi32> to vector<16xi32>
    %swap3A_448 = vector.shape_cast %add3A_442 : vector<16xi32> to vector<1x16xi32>
    tpu.vector_store %arg6[%swap3A_444, %swap3A_445], %swap3A_448 {strides = array<i32>} : memref<8x128xi32, #tpu.memory_space<vmem>>, vector<1x16xi32>,
    %mul3A_449 = arith.constant 8 : i32
    %mul3A_450 = arith.muli %select_n3A, %mul3A_449 : i32
    %add3A_451 = arith.constant 5 : i32
    %add3A_452 = arith.addi %mul3A_450, %add3A_451 : i32
    %mul3A_453 = arith.constant 1024 : i32
    %mul3A_454 = arith.muli %add3A_452, %mul3A_453 : i32
    %add3A_455 = vector.broadcast %mul3A_454 : i32 to vector<16xi32>
    %add3A_456 = arith.addi %get3A_378, %add3A_455 : vector<16xi32>
    %swap3A_457 = arith.constant 5 : i32
    %swap3A_458 = arith.index_cast %swap3A_457 : i32 to index
    %swap3A_459 = arith.constant 48 : index
    %swap3A_460 = tpu.vector_load %arg6[%swap3A_458, %swap3A_459] {strides = array<i32>} : memref<8x128xi32, #tpu.memory_space<vmem>>, vector<1x16xi32>,
    %swap3A_461 = vector.shape_cast %swap3A_460 : vector<1x16xi32> to vector<16xi32>
    %swap3A_462 = vector.shape_cast %add3A_456 : vector<16xi32> to vector<1x16xi32>
    tpu.vector_store %arg6[%swap3A_458, %swap3A_459], %swap3A_462 {strides = array<i32>} : memref<8x128xi32, #tpu.memory_space<vmem>>, vector<1x16xi32>,
    %mul3A_463 = arith.constant 8 : i32
    %mul3A_464 = arith.muli %select_n3A, %mul3A_463 : i32
    %add3A_465 = arith.constant 6 : i32
    %add3A_466 = arith.addi %mul3A_464, %add3A_465 : i32
    %mul3A_467 = arith.constant 1024 : i32
    %mul3A_468 = arith.muli %add3A_466, %mul3A_467 : i32
    %add3A_469 = vector.broadcast %mul3A_468 : i32 to vector<16xi32>
    %add3A_470 = arith.addi %get3A_378, %add3A_469 : vector<16xi32>
    %swap3A_471 = arith.constant 6 : i32
    %swap3A_472 = arith.index_cast %swap3A_471 : i32 to index
    %swap3A_473 = arith.constant 48 : index
    %swap3A_474 = tpu.vector_load %arg6[%swap3A_472, %swap3A_473] {strides = array<i32>} : memref<8x128xi32, #tpu.memory_space<vmem>>, vector<1x16xi32>,
    %swap3A_475 = vector.shape_cast %swap3A_474 : vector<1x16xi32> to vector<16xi32>
    %swap3A_476 = vector.shape_cast %add3A_470 : vector<16xi32> to vector<1x16xi32>
    tpu.vector_store %arg6[%swap3A_472, %swap3A_473], %swap3A_476 {strides = array<i32>} : memref<8x128xi32, #tpu.memory_space<vmem>>, vector<1x16xi32>,
    %mul3A_477 = arith.constant 8 : i32
    %mul3A_478 = arith.muli %select_n3A, %mul3A_477 : i32
    %add3A_479 = arith.constant 7 : i32
    %add3A_480 = arith.addi %mul3A_478, %add3A_479 : i32
    %mul3A_481 = arith.constant 1024 : i32
    %mul3A_482 = arith.muli %add3A_480, %mul3A_481 : i32
    %add3A_483 = vector.broadcast %mul3A_482 : i32 to vector<16xi32>
    %add3A_484 = arith.addi %get3A_378, %add3A_483 : vector<16xi32>
    %swap3A_485 = arith.constant 7 : i32
    %swap3A_486 = arith.index_cast %swap3A_485 : i32 to index
    %swap3A_487 = arith.constant 48 : index
    %swap3A_488 = tpu.vector_load %arg6[%swap3A_486, %swap3A_487] {strides = array<i32>} : memref<8x128xi32, #tpu.memory_space<vmem>>, vector<1x16xi32>,
    %swap3A_489 = vector.shape_cast %swap3A_488 : vector<1x16xi32> to vector<16xi32>
    %swap3A_490 = vector.shape_cast %add3A_484 : vector<16xi32> to vector<1x16xi32>
    tpu.vector_store %arg6[%swap3A_486, %swap3A_487], %swap3A_490 {strides = array<i32>} : memref<8x128xi32, #tpu.memory_space<vmem>>, vector<1x16xi32>,
    %get3A_491 = arith.constant 64 : index
    %get3A_492 = tpu.vector_load %arg5[%get3A_491] {strides = array<i32>} : memref<128xi32, #tpu.memory_space<vmem>>, vector<16xi32>,
    %get3A_493 = vector.shape_cast %get3A_492 : vector<16xi32> to vector<16xi32>
    %mul3A_494 = arith.constant 8 : i32
    %mul3A_495 = arith.muli %select_n3A, %mul3A_494 : i32
    %add3A_496 = arith.constant 0 : i32
    %add3A_497 = arith.addi %mul3A_495, %add3A_496 : i32
    %mul3A_498 = arith.constant 1024 : i32
    %mul3A_499 = arith.muli %add3A_497, %mul3A_498 : i32
    %add3A_500 = vector.broadcast %mul3A_499 : i32 to vector<16xi32>
    %add3A_501 = arith.addi %get3A_493, %add3A_500 : vector<16xi32>
    %swap3A_502 = arith.constant 0 : i32
    %swap3A_503 = arith.index_cast %swap3A_502 : i32 to index
    %swap3A_504 = arith.constant 64 : index
    %swap3A_505 = tpu.vector_load %arg6[%swap3A_503, %swap3A_504] {strides = array<i32>} : memref<8x128xi32, #tpu.memory_space<vmem>>, vector<1x16xi32>,
    %swap3A_506 = vector.shape_cast %swap3A_505 : vector<1x16xi32> to vector<16xi32>
    %swap3A_507 = vector.shape_cast %add3A_501 : vector<16xi32> to vector<1x16xi32>
    tpu.vector_store %arg6[%swap3A_503, %swap3A_504], %swap3A_507 {strides = array<i32>} : memref<8x128xi32, #tpu.memory_space<vmem>>, vector<1x16xi32>,
    %mul3A_508 = arith.constant 8 : i32
    %mul3A_509 = arith.muli %select_n3A, %mul3A_508 : i32
    %add3A_510 = arith.constant 1 : i32
    %add3A_511 = arith.addi %mul3A_509, %add3A_510 : i32
    %mul3A_512 = arith.constant 1024 : i32
    %mul3A_513 = arith.muli %add3A_511, %mul3A_512 : i32
    %add3A_514 = vector.broadcast %mul3A_513 : i32 to vector<16xi32>
    %add3A_515 = arith.addi %get3A_493, %add3A_514 : vector<16xi32>
    %swap3A_516 = arith.constant 1 : i32
    %swap3A_517 = arith.index_cast %swap3A_516 : i32 to index
    %swap3A_518 = arith.constant 64 : index
    %swap3A_519 = tpu.vector_load %arg6[%swap3A_517, %swap3A_518] {strides = array<i32>} : memref<8x128xi32, #tpu.memory_space<vmem>>, vector<1x16xi32>,
    %swap3A_520 = vector.shape_cast %swap3A_519 : vector<1x16xi32> to vector<16xi32>
    %swap3A_521 = vector.shape_cast %add3A_515 : vector<16xi32> to vector<1x16xi32>
    tpu.vector_store %arg6[%swap3A_517, %swap3A_518], %swap3A_521 {strides = array<i32>} : memref<8x128xi32, #tpu.memory_space<vmem>>, vector<1x16xi32>,
    %mul3A_522 = arith.constant 8 : i32
    %mul3A_523 = arith.muli %select_n3A, %mul3A_522 : i32
    %add3A_524 = arith.constant 2 : i32
    %add3A_525 = arith.addi %mul3A_523, %add3A_524 : i32
    %mul3A_526 = arith.constant 1024 : i32
    %mul3A_527 = arith.muli %add3A_525, %mul3A_526 : i32
    %add3A_528 = vector.broadcast %mul3A_527 : i32 to vector<16xi32>
    %add3A_529 = arith.addi %get3A_493, %add3A_528 : vector<16xi32>
    %swap3A_530 = arith.constant 2 : i32
    %swap3A_531 = arith.index_cast %swap3A_530 : i32 to index
    %swap3A_532 = arith.constant 64 : index
    %swap3A_533 = tpu.vector_load %arg6[%swap3A_531, %swap3A_532] {strides = array<i32>} : memref<8x128xi32, #tpu.memory_space<vmem>>, vector<1x16xi32>,
    %swap3A_534 = vector.shape_cast %swap3A_533 : vector<1x16xi32> to vector<16xi32>
    %swap3A_535 = vector.shape_cast %add3A_529 : vector<16xi32> to vector<1x16xi32>
    tpu.vector_store %arg6[%swap3A_531, %swap3A_532], %swap3A_535 {strides = array<i32>} : memref<8x128xi32, #tpu.memory_space<vmem>>, vector<1x16xi32>,
    %mul3A_536 = arith.constant 8 : i32
    %mul3A_537 = arith.muli %select_n3A, %mul3A_536 : i32
    %add3A_538 = arith.constant 3 : i32
    %add3A_539 = arith.addi %mul3A_537, %add3A_538 : i32
    %mul3A_540 = arith.constant 1024 : i32
    %mul3A_541 = arith.muli %add3A_539, %mul3A_540 : i32
    %add3A_542 = vector.broadcast %mul3A_541 : i32 to vector<16xi32>
    %add3A_543 = arith.addi %get3A_493, %add3A_542 : vector<16xi32>
    %swap3A_544 = arith.constant 3 : i32
    %swap3A_545 = arith.index_cast %swap3A_544 : i32 to index
    %swap3A_546 = arith.constant 64 : index
    %swap3A_547 = tpu.vector_load %arg6[%swap3A_545, %swap3A_546] {strides = array<i32>} : memref<8x128xi32, #tpu.memory_space<vmem>>, vector<1x16xi32>,
    %swap3A_548 = vector.shape_cast %swap3A_547 : vector<1x16xi32> to vector<16xi32>
    %swap3A_549 = vector.shape_cast %add3A_543 : vector<16xi32> to vector<1x16xi32>
    tpu.vector_store %arg6[%swap3A_545, %swap3A_546], %swap3A_549 {strides = array<i32>} : memref<8x128xi32, #tpu.memory_space<vmem>>, vector<1x16xi32>,
    %mul3A_550 = arith.constant 8 : i32
    %mul3A_551 = arith.muli %select_n3A, %mul3A_550 : i32
    %add3A_552 = arith.constant 4 : i32
    %add3A_553 = arith.addi %mul3A_551, %add3A_552 : i32
    %mul3A_554 = arith.constant 1024 : i32
    %mul3A_555 = arith.muli %add3A_553, %mul3A_554 : i32
    %add3A_556 = vector.broadcast %mul3A_555 : i32 to vector<16xi32>
    %add3A_557 = arith.addi %get3A_493, %add3A_556 : vector<16xi32>
    %swap3A_558 = arith.constant 4 : i32
    %swap3A_559 = arith.index_cast %swap3A_558 : i32 to index
    %swap3A_560 = arith.constant 64 : index
    %swap3A_561 = tpu.vector_load %arg6[%swap3A_559, %swap3A_560] {strides = array<i32>} : memref<8x128xi32, #tpu.memory_space<vmem>>, vector<1x16xi32>,
    %swap3A_562 = vector.shape_cast %swap3A_561 : vector<1x16xi32> to vector<16xi32>
    %swap3A_563 = vector.shape_cast %add3A_557 : vector<16xi32> to vector<1x16xi32>
    tpu.vector_store %arg6[%swap3A_559, %swap3A_560], %swap3A_563 {strides = array<i32>} : memref<8x128xi32, #tpu.memory_space<vmem>>, vector<1x16xi32>,
    %mul3A_564 = arith.constant 8 : i32
    %mul3A_565 = arith.muli %select_n3A, %mul3A_564 : i32
    %add3A_566 = arith.constant 5 : i32
    %add3A_567 = arith.addi %mul3A_565, %add3A_566 : i32
    %mul3A_568 = arith.constant 1024 : i32
    %mul3A_569 = arith.muli %add3A_567, %mul3A_568 : i32
    %add3A_570 = vector.broadcast %mul3A_569 : i32 to vector<16xi32>
    %add3A_571 = arith.addi %get3A_493, %add3A_570 : vector<16xi32>
    %swap3A_572 = arith.constant 5 : i32
    %swap3A_573 = arith.index_cast %swap3A_572 : i32 to index
    %swap3A_574 = arith.constant 64 : index
    %swap3A_575 = tpu.vector_load %arg6[%swap3A_573, %swap3A_574] {strides = array<i32>} : memref<8x128xi32, #tpu.memory_space<vmem>>, vector<1x16xi32>,
    %swap3A_576 = vector.shape_cast %swap3A_575 : vector<1x16xi32> to vector<16xi32>
    %swap3A_577 = vector.shape_cast %add3A_571 : vector<16xi32> to vector<1x16xi32>
    tpu.vector_store %arg6[%swap3A_573, %swap3A_574], %swap3A_577 {strides = array<i32>} : memref<8x128xi32, #tpu.memory_space<vmem>>, vector<1x16xi32>,
    %mul3A_578 = arith.constant 8 : i32
    %mul3A_579 = arith.muli %select_n3A, %mul3A_578 : i32
    %add3A_580 = arith.constant 6 : i32
    %add3A_581 = arith.addi %mul3A_579, %add3A_580 : i32
    %mul3A_582 = arith.constant 1024 : i32
    %mul3A_583 = arith.muli %add3A_581, %mul3A_582 : i32
    %add3A_584 = vector.broadcast %mul3A_583 : i32 to vector<16xi32>
    %add3A_585 = arith.addi %get3A_493, %add3A_584 : vector<16xi32>
    %swap3A_586 = arith.constant 6 : i32
    %swap3A_587 = arith.index_cast %swap3A_586 : i32 to index
    %swap3A_588 = arith.constant 64 : index
    %swap3A_589 = tpu.vector_load %arg6[%swap3A_587, %swap3A_588] {strides = array<i32>} : memref<8x128xi32, #tpu.memory_space<vmem>>, vector<1x16xi32>,
    %swap3A_590 = vector.shape_cast %swap3A_589 : vector<1x16xi32> to vector<16xi32>
    %swap3A_591 = vector.shape_cast %add3A_585 : vector<16xi32> to vector<1x16xi32>
    tpu.vector_store %arg6[%swap3A_587, %swap3A_588], %swap3A_591 {strides = array<i32>} : memref<8x128xi32, #tpu.memory_space<vmem>>, vector<1x16xi32>,
    %mul3A_592 = arith.constant 8 : i32
    %mul3A_593 = arith.muli %select_n3A, %mul3A_592 : i32
    %add3A_594 = arith.constant 7 : i32
    %add3A_595 = arith.addi %mul3A_593, %add3A_594 : i32
    %mul3A_596 = arith.constant 1024 : i32
    %mul3A_597 = arith.muli %add3A_595, %mul3A_596 : i32
    %add3A_598 = vector.broadcast %mul3A_597 : i32 to vector<16xi32>
    %add3A_599 = arith.addi %get3A_493, %add3A_598 : vector<16xi32>
    %swap3A_600 = arith.constant 7 : i32
    %swap3A_601 = arith.index_cast %swap3A_600 : i32 to index
    %swap3A_602 = arith.constant 64 : index
    %swap3A_603 = tpu.vector_load %arg6[%swap3A_601, %swap3A_602] {strides = array<i32>} : memref<8x128xi32, #tpu.memory_space<vmem>>, vector<1x16xi32>,
    %swap3A_604 = vector.shape_cast %swap3A_603 : vector<1x16xi32> to vector<16xi32>
    %swap3A_605 = vector.shape_cast %add3A_599 : vector<16xi32> to vector<1x16xi32>
    tpu.vector_store %arg6[%swap3A_601, %swap3A_602], %swap3A_605 {strides = array<i32>} : memref<8x128xi32, #tpu.memory_space<vmem>>, vector<1x16xi32>,
    %get3A_606 = arith.constant 80 : index
    %get3A_607 = tpu.vector_load %arg5[%get3A_606] {strides = array<i32>} : memref<128xi32, #tpu.memory_space<vmem>>, vector<16xi32>,
    %get3A_608 = vector.shape_cast %get3A_607 : vector<16xi32> to vector<16xi32>
    %mul3A_609 = arith.constant 8 : i32
    %mul3A_610 = arith.muli %select_n3A, %mul3A_609 : i32
    %add3A_611 = arith.constant 0 : i32
    %add3A_612 = arith.addi %mul3A_610, %add3A_611 : i32
    %mul3A_613 = arith.constant 1024 : i32
    %mul3A_614 = arith.muli %add3A_612, %mul3A_613 : i32
    %add3A_615 = vector.broadcast %mul3A_614 : i32 to vector<16xi32>
    %add3A_616 = arith.addi %get3A_608, %add3A_615 : vector<16xi32>
    %swap3A_617 = arith.constant 0 : i32
    %swap3A_618 = arith.index_cast %swap3A_617 : i32 to index
    %swap3A_619 = arith.constant 80 : index
    %swap3A_620 = tpu.vector_load %arg6[%swap3A_618, %swap3A_619] {strides = array<i32>} : memref<8x128xi32, #tpu.memory_space<vmem>>, vector<1x16xi32>,
    %swap3A_621 = vector.shape_cast %swap3A_620 : vector<1x16xi32> to vector<16xi32>
    %swap3A_622 = vector.shape_cast %add3A_616 : vector<16xi32> to vector<1x16xi32>
    tpu.vector_store %arg6[%swap3A_618, %swap3A_619], %swap3A_622 {strides = array<i32>} : memref<8x128xi32, #tpu.memory_space<vmem>>, vector<1x16xi32>,
    %mul3A_623 = arith.constant 8 : i32
    %mul3A_624 = arith.muli %select_n3A, %mul3A_623 : i32
    %add3A_625 = arith.constant 1 : i32
    %add3A_626 = arith.addi %mul3A_624, %add3A_625 : i32
    %mul3A_627 = arith.constant 1024 : i32
    %mul3A_628 = arith.muli %add3A_626, %mul3A_627 : i32
    %add3A_629 = vector.broadcast %mul3A_628 : i32 to vector<16xi32>
    %add3A_630 = arith.addi %get3A_608, %add3A_629 : vector<16xi32>
    %swap3A_631 = arith.constant 1 : i32
    %swap3A_632 = arith.index_cast %swap3A_631 : i32 to index
    %swap3A_633 = arith.constant 80 : index
    %swap3A_634 = tpu.vector_load %arg6[%swap3A_632, %swap3A_633] {strides = array<i32>} : memref<8x128xi32, #tpu.memory_space<vmem>>, vector<1x16xi32>,
    %swap3A_635 = vector.shape_cast %swap3A_634 : vector<1x16xi32> to vector<16xi32>
    %swap3A_636 = vector.shape_cast %add3A_630 : vector<16xi32> to vector<1x16xi32>
    tpu.vector_store %arg6[%swap3A_632, %swap3A_633], %swap3A_636 {strides = array<i32>} : memref<8x128xi32, #tpu.memory_space<vmem>>, vector<1x16xi32>,
    %mul3A_637 = arith.constant 8 : i32
    %mul3A_638 = arith.muli %select_n3A, %mul3A_637 : i32
    %add3A_639 = arith.constant 2 : i32
    %add3A_640 = arith.addi %mul3A_638, %add3A_639 : i32
    %mul3A_641 = arith.constant 1024 : i32
    %mul3A_642 = arith.muli %add3A_640, %mul3A_641 : i32
    %add3A_643 = vector.broadcast %mul3A_642 : i32 to vector<16xi32>
    %add3A_644 = arith.addi %get3A_608, %add3A_643 : vector<16xi32>
    %swap3A_645 = arith.constant 2 : i32
    %swap3A_646 = arith.index_cast %swap3A_645 : i32 to index
    %swap3A_647 = arith.constant 80 : index
    %swap3A_648 = tpu.vector_load %arg6[%swap3A_646, %swap3A_647] {strides = array<i32>} : memref<8x128xi32, #tpu.memory_space<vmem>>, vector<1x16xi32>,
    %swap3A_649 = vector.shape_cast %swap3A_648 : vector<1x16xi32> to vector<16xi32>
    %swap3A_650 = vector.shape_cast %add3A_644 : vector<16xi32> to vector<1x16xi32>
    tpu.vector_store %arg6[%swap3A_646, %swap3A_647], %swap3A_650 {strides = array<i32>} : memref<8x128xi32, #tpu.memory_space<vmem>>, vector<1x16xi32>,
    %mul3A_651 = arith.constant 8 : i32
    %mul3A_652 = arith.muli %select_n3A, %mul3A_651 : i32
    %add3A_653 = arith.constant 3 : i32
    %add3A_654 = arith.addi %mul3A_652, %add3A_653 : i32
    %mul3A_655 = arith.constant 1024 : i32
    %mul3A_656 = arith.muli %add3A_654, %mul3A_655 : i32
    %add3A_657 = vector.broadcast %mul3A_656 : i32 to vector<16xi32>
    %add3A_658 = arith.addi %get3A_608, %add3A_657 : vector<16xi32>
    %swap3A_659 = arith.constant 3 : i32
    %swap3A_660 = arith.index_cast %swap3A_659 : i32 to index
    %swap3A_661 = arith.constant 80 : index
    %swap3A_662 = tpu.vector_load %arg6[%swap3A_660, %swap3A_661] {strides = array<i32>} : memref<8x128xi32, #tpu.memory_space<vmem>>, vector<1x16xi32>,
    %swap3A_663 = vector.shape_cast %swap3A_662 : vector<1x16xi32> to vector<16xi32>
    %swap3A_664 = vector.shape_cast %add3A_658 : vector<16xi32> to vector<1x16xi32>
    tpu.vector_store %arg6[%swap3A_660, %swap3A_661], %swap3A_664 {strides = array<i32>} : memref<8x128xi32, #tpu.memory_space<vmem>>, vector<1x16xi32>,
    %mul3A_665 = arith.constant 8 : i32
    %mul3A_666 = arith.muli %select_n3A, %mul3A_665 : i32
    %add3A_667 = arith.constant 4 : i32
    %add3A_668 = arith.addi %mul3A_666, %add3A_667 : i32
    %mul3A_669 = arith.constant 1024 : i32
    %mul3A_670 = arith.muli %add3A_668, %mul3A_669 : i32
    %add3A_671 = vector.broadcast %mul3A_670 : i32 to vector<16xi32>
    %add3A_672 = arith.addi %get3A_608, %add3A_671 : vector<16xi32>
    %swap3A_673 = arith.constant 4 : i32
    %swap3A_674 = arith.index_cast %swap3A_673 : i32 to index
    %swap3A_675 = arith.constant 80 : index
    %swap3A_676 = tpu.vector_load %arg6[%swap3A_674, %swap3A_675] {strides = array<i32>} : memref<8x128xi32, #tpu.memory_space<vmem>>, vector<1x16xi32>,
    %swap3A_677 = vector.shape_cast %swap3A_676 : vector<1x16xi32> to vector<16xi32>
    %swap3A_678 = vector.shape_cast %add3A_672 : vector<16xi32> to vector<1x16xi32>
    tpu.vector_store %arg6[%swap3A_674, %swap3A_675], %swap3A_678 {strides = array<i32>} : memref<8x128xi32, #tpu.memory_space<vmem>>, vector<1x16xi32>,
    %mul3A_679 = arith.constant 8 : i32
    %mul3A_680 = arith.muli %select_n3A, %mul3A_679 : i32
    %add3A_681 = arith.constant 5 : i32
    %add3A_682 = arith.addi %mul3A_680, %add3A_681 : i32
    %mul3A_683 = arith.constant 1024 : i32
    %mul3A_684 = arith.muli %add3A_682, %mul3A_683 : i32
    %add3A_685 = vector.broadcast %mul3A_684 : i32 to vector<16xi32>
    %add3A_686 = arith.addi %get3A_608, %add3A_685 : vector<16xi32>
    %swap3A_687 = arith.constant 5 : i32
    %swap3A_688 = arith.index_cast %swap3A_687 : i32 to index
    %swap3A_689 = arith.constant 80 : index
    %swap3A_690 = tpu.vector_load %arg6[%swap3A_688, %swap3A_689] {strides = array<i32>} : memref<8x128xi32, #tpu.memory_space<vmem>>, vector<1x16xi32>,
    %swap3A_691 = vector.shape_cast %swap3A_690 : vector<1x16xi32> to vector<16xi32>
    %swap3A_692 = vector.shape_cast %add3A_686 : vector<16xi32> to vector<1x16xi32>
    tpu.vector_store %arg6[%swap3A_688, %swap3A_689], %swap3A_692 {strides = array<i32>} : memref<8x128xi32, #tpu.memory_space<vmem>>, vector<1x16xi32>,
    %mul3A_693 = arith.constant 8 : i32
    %mul3A_694 = arith.muli %select_n3A, %mul3A_693 : i32
    %add3A_695 = arith.constant 6 : i32
    %add3A_696 = arith.addi %mul3A_694, %add3A_695 : i32
    %mul3A_697 = arith.constant 1024 : i32
    %mul3A_698 = arith.muli %add3A_696, %mul3A_697 : i32
    %add3A_699 = vector.broadcast %mul3A_698 : i32 to vector<16xi32>
    %add3A_700 = arith.addi %get3A_608, %add3A_699 : vector<16xi32>
    %swap3A_701 = arith.constant 6 : i32
    %swap3A_702 = arith.index_cast %swap3A_701 : i32 to index
    %swap3A_703 = arith.constant 80 : index
    %swap3A_704 = tpu.vector_load %arg6[%swap3A_702, %swap3A_703] {strides = array<i32>} : memref<8x128xi32, #tpu.memory_space<vmem>>, vector<1x16xi32>,
    %swap3A_705 = vector.shape_cast %swap3A_704 : vector<1x16xi32> to vector<16xi32>
    %swap3A_706 = vector.shape_cast %add3A_700 : vector<16xi32> to vector<1x16xi32>
    tpu.vector_store %arg6[%swap3A_702, %swap3A_703], %swap3A_706 {strides = array<i32>} : memref<8x128xi32, #tpu.memory_space<vmem>>, vector<1x16xi32>,
    %mul3A_707 = arith.constant 8 : i32
    %mul3A_708 = arith.muli %select_n3A, %mul3A_707 : i32
    %add3A_709 = arith.constant 7 : i32
    %add3A_710 = arith.addi %mul3A_708, %add3A_709 : i32
    %mul3A_711 = arith.constant 1024 : i32
    %mul3A_712 = arith.muli %add3A_710, %mul3A_711 : i32
    %add3A_713 = vector.broadcast %mul3A_712 : i32 to vector<16xi32>
    %add3A_714 = arith.addi %get3A_608, %add3A_713 : vector<16xi32>
    %swap3A_715 = arith.constant 7 : i32
    %swap3A_716 = arith.index_cast %swap3A_715 : i32 to index
    %swap3A_717 = arith.constant 80 : index
    %swap3A_718 = tpu.vector_load %arg6[%swap3A_716, %swap3A_717] {strides = array<i32>} : memref<8x128xi32, #tpu.memory_space<vmem>>, vector<1x16xi32>,
    %swap3A_719 = vector.shape_cast %swap3A_718 : vector<1x16xi32> to vector<16xi32>
    %swap3A_720 = vector.shape_cast %add3A_714 : vector<16xi32> to vector<1x16xi32>
    tpu.vector_store %arg6[%swap3A_716, %swap3A_717], %swap3A_720 {strides = array<i32>} : memref<8x128xi32, #tpu.memory_space<vmem>>, vector<1x16xi32>,
    %get3A_721 = arith.constant 96 : index
    %get3A_722 = tpu.vector_load %arg5[%get3A_721] {strides = array<i32>} : memref<128xi32, #tpu.memory_space<vmem>>, vector<16xi32>,
    %get3A_723 = vector.shape_cast %get3A_722 : vector<16xi32> to vector<16xi32>
    %mul3A_724 = arith.constant 8 : i32
    %mul3A_725 = arith.muli %select_n3A, %mul3A_724 : i32
    %add3A_726 = arith.constant 0 : i32
    %add3A_727 = arith.addi %mul3A_725, %add3A_726 : i32
    %mul3A_728 = arith.constant 1024 : i32
    %mul3A_729 = arith.muli %add3A_727, %mul3A_728 : i32
    %add3A_730 = vector.broadcast %mul3A_729 : i32 to vector<16xi32>
    %add3A_731 = arith.addi %get3A_723, %add3A_730 : vector<16xi32>
    %swap3A_732 = arith.constant 0 : i32
    %swap3A_733 = arith.index_cast %swap3A_732 : i32 to index
    %swap3A_734 = arith.constant 96 : index
    %swap3A_735 = tpu.vector_load %arg6[%swap3A_733, %swap3A_734] {strides = array<i32>} : memref<8x128xi32, #tpu.memory_space<vmem>>, vector<1x16xi32>,
    %swap3A_736 = vector.shape_cast %swap3A_735 : vector<1x16xi32> to vector<16xi32>
    %swap3A_737 = vector.shape_cast %add3A_731 : vector<16xi32> to vector<1x16xi32>
    tpu.vector_store %arg6[%swap3A_733, %swap3A_734], %swap3A_737 {strides = array<i32>} : memref<8x128xi32, #tpu.memory_space<vmem>>, vector<1x16xi32>,
    %mul3A_738 = arith.constant 8 : i32
    %mul3A_739 = arith.muli %select_n3A, %mul3A_738 : i32
    %add3A_740 = arith.constant 1 : i32
    %add3A_741 = arith.addi %mul3A_739, %add3A_740 : i32
    %mul3A_742 = arith.constant 1024 : i32
    %mul3A_743 = arith.muli %add3A_741, %mul3A_742 : i32
    %add3A_744 = vector.broadcast %mul3A_743 : i32 to vector<16xi32>
    %add3A_745 = arith.addi %get3A_723, %add3A_744 : vector<16xi32>
    %swap3A_746 = arith.constant 1 : i32
    %swap3A_747 = arith.index_cast %swap3A_746 : i32 to index
    %swap3A_748 = arith.constant 96 : index
    %swap3A_749 = tpu.vector_load %arg6[%swap3A_747, %swap3A_748] {strides = array<i32>} : memref<8x128xi32, #tpu.memory_space<vmem>>, vector<1x16xi32>,
    %swap3A_750 = vector.shape_cast %swap3A_749 : vector<1x16xi32> to vector<16xi32>
    %swap3A_751 = vector.shape_cast %add3A_745 : vector<16xi32> to vector<1x16xi32>
    tpu.vector_store %arg6[%swap3A_747, %swap3A_748], %swap3A_751 {strides = array<i32>} : memref<8x128xi32, #tpu.memory_space<vmem>>, vector<1x16xi32>,
    %mul3A_752 = arith.constant 8 : i32
    %mul3A_753 = arith.muli %select_n3A, %mul3A_752 : i32
    %add3A_754 = arith.constant 2 : i32
    %add3A_755 = arith.addi %mul3A_753, %add3A_754 : i32
    %mul3A_756 = arith.constant 1024 : i32
    %mul3A_757 = arith.muli %add3A_755, %mul3A_756 : i32
    %add3A_758 = vector.broadcast %mul3A_757 : i32 to vector<16xi32>
    %add3A_759 = arith.addi %get3A_723, %add3A_758 : vector<16xi32>
    %swap3A_760 = arith.constant 2 : i32
    %swap3A_761 = arith.index_cast %swap3A_760 : i32 to index
    %swap3A_762 = arith.constant 96 : index
    %swap3A_763 = tpu.vector_load %arg6[%swap3A_761, %swap3A_762] {strides = array<i32>} : memref<8x128xi32, #tpu.memory_space<vmem>>, vector<1x16xi32>,
    %swap3A_764 = vector.shape_cast %swap3A_763 : vector<1x16xi32> to vector<16xi32>
    %swap3A_765 = vector.shape_cast %add3A_759 : vector<16xi32> to vector<1x16xi32>
    tpu.vector_store %arg6[%swap3A_761, %swap3A_762], %swap3A_765 {strides = array<i32>} : memref<8x128xi32, #tpu.memory_space<vmem>>, vector<1x16xi32>,
    %mul3A_766 = arith.constant 8 : i32
    %mul3A_767 = arith.muli %select_n3A, %mul3A_766 : i32
    %add3A_768 = arith.constant 3 : i32
    %add3A_769 = arith.addi %mul3A_767, %add3A_768 : i32
    %mul3A_770 = arith.constant 1024 : i32
    %mul3A_771 = arith.muli %add3A_769, %mul3A_770 : i32
    %add3A_772 = vector.broadcast %mul3A_771 : i32 to vector<16xi32>
    %add3A_773 = arith.addi %get3A_723, %add3A_772 : vector<16xi32>
    %swap3A_774 = arith.constant 3 : i32
    %swap3A_775 = arith.index_cast %swap3A_774 : i32 to index
    %swap3A_776 = arith.constant 96 : index
    %swap3A_777 = tpu.vector_load %arg6[%swap3A_775, %swap3A_776] {strides = array<i32>} : memref<8x128xi32, #tpu.memory_space<vmem>>, vector<1x16xi32>,
    %swap3A_778 = vector.shape_cast %swap3A_777 : vector<1x16xi32> to vector<16xi32>
    %swap3A_779 = vector.shape_cast %add3A_773 : vector<16xi32> to vector<1x16xi32>
    tpu.vector_store %arg6[%swap3A_775, %swap3A_776], %swap3A_779 {strides = array<i32>} : memref<8x128xi32, #tpu.memory_space<vmem>>, vector<1x16xi32>,
    %mul3A_780 = arith.constant 8 : i32
    %mul3A_781 = arith.muli %select_n3A, %mul3A_780 : i32
    %add3A_782 = arith.constant 4 : i32
    %add3A_783 = arith.addi %mul3A_781, %add3A_782 : i32
    %mul3A_784 = arith.constant 1024 : i32
    %mul3A_785 = arith.muli %add3A_783, %mul3A_784 : i32
    %add3A_786 = vector.broadcast %mul3A_785 : i32 to vector<16xi32>
    %add3A_787 = arith.addi %get3A_723, %add3A_786 : vector<16xi32>
    %swap3A_788 = arith.constant 4 : i32
    %swap3A_789 = arith.index_cast %swap3A_788 : i32 to index
    %swap3A_790 = arith.constant 96 : index
    %swap3A_791 = tpu.vector_load %arg6[%swap3A_789, %swap3A_790] {strides = array<i32>} : memref<8x128xi32, #tpu.memory_space<vmem>>, vector<1x16xi32>,
    %swap3A_792 = vector.shape_cast %swap3A_791 : vector<1x16xi32> to vector<16xi32>
    %swap3A_793 = vector.shape_cast %add3A_787 : vector<16xi32> to vector<1x16xi32>
    tpu.vector_store %arg6[%swap3A_789, %swap3A_790], %swap3A_793 {strides = array<i32>} : memref<8x128xi32, #tpu.memory_space<vmem>>, vector<1x16xi32>,
    %mul3A_794 = arith.constant 8 : i32
    %mul3A_795 = arith.muli %select_n3A, %mul3A_794 : i32
    %add3A_796 = arith.constant 5 : i32
    %add3A_797 = arith.addi %mul3A_795, %add3A_796 : i32
    %mul3A_798 = arith.constant 1024 : i32
    %mul3A_799 = arith.muli %add3A_797, %mul3A_798 : i32
    %add3A_800 = vector.broadcast %mul3A_799 : i32 to vector<16xi32>
    %add3A_801 = arith.addi %get3A_723, %add3A_800 : vector<16xi32>
    %swap3A_802 = arith.constant 5 : i32
    %swap3A_803 = arith.index_cast %swap3A_802 : i32 to index
    %swap3A_804 = arith.constant 96 : index
    %swap3A_805 = tpu.vector_load %arg6[%swap3A_803, %swap3A_804] {strides = array<i32>} : memref<8x128xi32, #tpu.memory_space<vmem>>, vector<1x16xi32>,
    %swap3A_806 = vector.shape_cast %swap3A_805 : vector<1x16xi32> to vector<16xi32>
    %swap3A_807 = vector.shape_cast %add3A_801 : vector<16xi32> to vector<1x16xi32>
    tpu.vector_store %arg6[%swap3A_803, %swap3A_804], %swap3A_807 {strides = array<i32>} : memref<8x128xi32, #tpu.memory_space<vmem>>, vector<1x16xi32>,
    %mul3A_808 = arith.constant 8 : i32
    %mul3A_809 = arith.muli %select_n3A, %mul3A_808 : i32
    %add3A_810 = arith.constant 6 : i32
    %add3A_811 = arith.addi %mul3A_809, %add3A_810 : i32
    %mul3A_812 = arith.constant 1024 : i32
    %mul3A_813 = arith.muli %add3A_811, %mul3A_812 : i32
    %add3A_814 = vector.broadcast %mul3A_813 : i32 to vector<16xi32>
    %add3A_815 = arith.addi %get3A_723, %add3A_814 : vector<16xi32>
    %swap3A_816 = arith.constant 6 : i32
    %swap3A_817 = arith.index_cast %swap3A_816 : i32 to index
    %swap3A_818 = arith.constant 96 : index
    %swap3A_819 = tpu.vector_load %arg6[%swap3A_817, %swap3A_818] {strides = array<i32>} : memref<8x128xi32, #tpu.memory_space<vmem>>, vector<1x16xi32>,
    %swap3A_820 = vector.shape_cast %swap3A_819 : vector<1x16xi32> to vector<16xi32>
    %swap3A_821 = vector.shape_cast %add3A_815 : vector<16xi32> to vector<1x16xi32>
    tpu.vector_store %arg6[%swap3A_817, %swap3A_818], %swap3A_821 {strides = array<i32>} : memref<8x128xi32, #tpu.memory_space<vmem>>, vector<1x16xi32>,
    %mul3A_822 = arith.constant 8 : i32
    %mul3A_823 = arith.muli %select_n3A, %mul3A_822 : i32
    %add3A_824 = arith.constant 7 : i32
    %add3A_825 = arith.addi %mul3A_823, %add3A_824 : i32
    %mul3A_826 = arith.constant 1024 : i32
    %mul3A_827 = arith.muli %add3A_825, %mul3A_826 : i32
    %add3A_828 = vector.broadcast %mul3A_827 : i32 to vector<16xi32>
    %add3A_829 = arith.addi %get3A_723, %add3A_828 : vector<16xi32>
    %swap3A_830 = arith.constant 7 : i32
    %swap3A_831 = arith.index_cast %swap3A_830 : i32 to index
    %swap3A_832 = arith.constant 96 : index
    %swap3A_833 = tpu.vector_load %arg6[%swap3A_831, %swap3A_832] {strides = array<i32>} : memref<8x128xi32, #tpu.memory_space<vmem>>, vector<1x16xi32>,
    %swap3A_834 = vector.shape_cast %swap3A_833 : vector<1x16xi32> to vector<16xi32>
    %swap3A_835 = vector.shape_cast %add3A_829 : vector<16xi32> to vector<1x16xi32>
    tpu.vector_store %arg6[%swap3A_831, %swap3A_832], %swap3A_835 {strides = array<i32>} : memref<8x128xi32, #tpu.memory_space<vmem>>, vector<1x16xi32>,
    %get3A_836 = arith.constant 112 : index
    %get3A_837 = tpu.vector_load %arg5[%get3A_836] {strides = array<i32>} : memref<128xi32, #tpu.memory_space<vmem>>, vector<16xi32>,
    %get3A_838 = vector.shape_cast %get3A_837 : vector<16xi32> to vector<16xi32>
    %mul3A_839 = arith.constant 8 : i32
    %mul3A_840 = arith.muli %select_n3A, %mul3A_839 : i32
    %add3A_841 = arith.constant 0 : i32
    %add3A_842 = arith.addi %mul3A_840, %add3A_841 : i32
    %mul3A_843 = arith.constant 1024 : i32
    %mul3A_844 = arith.muli %add3A_842, %mul3A_843 : i32
    %add3A_845 = vector.broadcast %mul3A_844 : i32 to vector<16xi32>
    %add3A_846 = arith.addi %get3A_838, %add3A_845 : vector<16xi32>
    %swap3A_847 = arith.constant 0 : i32
    %swap3A_848 = arith.index_cast %swap3A_847 : i32 to index
    %swap3A_849 = arith.constant 112 : index
    %swap3A_850 = tpu.vector_load %arg6[%swap3A_848, %swap3A_849] {strides = array<i32>} : memref<8x128xi32, #tpu.memory_space<vmem>>, vector<1x16xi32>,
    %swap3A_851 = vector.shape_cast %swap3A_850 : vector<1x16xi32> to vector<16xi32>
    %swap3A_852 = vector.shape_cast %add3A_846 : vector<16xi32> to vector<1x16xi32>
    tpu.vector_store %arg6[%swap3A_848, %swap3A_849], %swap3A_852 {strides = array<i32>} : memref<8x128xi32, #tpu.memory_space<vmem>>, vector<1x16xi32>,
    %mul3A_853 = arith.constant 8 : i32
    %mul3A_854 = arith.muli %select_n3A, %mul3A_853 : i32
    %add3A_855 = arith.constant 1 : i32
    %add3A_856 = arith.addi %mul3A_854, %add3A_855 : i32
    %mul3A_857 = arith.constant 1024 : i32
    %mul3A_858 = arith.muli %add3A_856, %mul3A_857 : i32
    %add3A_859 = vector.broadcast %mul3A_858 : i32 to vector<16xi32>
    %add3A_860 = arith.addi %get3A_838, %add3A_859 : vector<16xi32>
    %swap3A_861 = arith.constant 1 : i32
    %swap3A_862 = arith.index_cast %swap3A_861 : i32 to index
    %swap3A_863 = arith.constant 112 : index
    %swap3A_864 = tpu.vector_load %arg6[%swap3A_862, %swap3A_863] {strides = array<i32>} : memref<8x128xi32, #tpu.memory_space<vmem>>, vector<1x16xi32>,
    %swap3A_865 = vector.shape_cast %swap3A_864 : vector<1x16xi32> to vector<16xi32>
    %swap3A_866 = vector.shape_cast %add3A_860 : vector<16xi32> to vector<1x16xi32>
    tpu.vector_store %arg6[%swap3A_862, %swap3A_863], %swap3A_866 {strides = array<i32>} : memref<8x128xi32, #tpu.memory_space<vmem>>, vector<1x16xi32>,
    %mul3A_867 = arith.constant 8 : i32
    %mul3A_868 = arith.muli %select_n3A, %mul3A_867 : i32
    %add3A_869 = arith.constant 2 : i32
    %add3A_870 = arith.addi %mul3A_868, %add3A_869 : i32
    %mul3A_871 = arith.constant 1024 : i32
    %mul3A_872 = arith.muli %add3A_870, %mul3A_871 : i32
    %add3A_873 = vector.broadcast %mul3A_872 : i32 to vector<16xi32>
    %add3A_874 = arith.addi %get3A_838, %add3A_873 : vector<16xi32>
    %swap3A_875 = arith.constant 2 : i32
    %swap3A_876 = arith.index_cast %swap3A_875 : i32 to index
    %swap3A_877 = arith.constant 112 : index
    %swap3A_878 = tpu.vector_load %arg6[%swap3A_876, %swap3A_877] {strides = array<i32>} : memref<8x128xi32, #tpu.memory_space<vmem>>, vector<1x16xi32>,
    %swap3A_879 = vector.shape_cast %swap3A_878 : vector<1x16xi32> to vector<16xi32>
    %swap3A_880 = vector.shape_cast %add3A_874 : vector<16xi32> to vector<1x16xi32>
    tpu.vector_store %arg6[%swap3A_876, %swap3A_877], %swap3A_880 {strides = array<i32>} : memref<8x128xi32, #tpu.memory_space<vmem>>, vector<1x16xi32>,
    %mul3A_881 = arith.constant 8 : i32
    %mul3A_882 = arith.muli %select_n3A, %mul3A_881 : i32
    %add3A_883 = arith.constant 3 : i32
    %add3A_884 = arith.addi %mul3A_882, %add3A_883 : i32
    %mul3A_885 = arith.constant 1024 : i32
    %mul3A_886 = arith.muli %add3A_884, %mul3A_885 : i32
    %add3A_887 = vector.broadcast %mul3A_886 : i32 to vector<16xi32>
    %add3A_888 = arith.addi %get3A_838, %add3A_887 : vector<16xi32>
    %swap3A_889 = arith.constant 3 : i32
    %swap3A_890 = arith.index_cast %swap3A_889 : i32 to index
    %swap3A_891 = arith.constant 112 : index
    %swap3A_892 = tpu.vector_load %arg6[%swap3A_890, %swap3A_891] {strides = array<i32>} : memref<8x128xi32, #tpu.memory_space<vmem>>, vector<1x16xi32>,
    %swap3A_893 = vector.shape_cast %swap3A_892 : vector<1x16xi32> to vector<16xi32>
    %swap3A_894 = vector.shape_cast %add3A_888 : vector<16xi32> to vector<1x16xi32>
    tpu.vector_store %arg6[%swap3A_890, %swap3A_891], %swap3A_894 {strides = array<i32>} : memref<8x128xi32, #tpu.memory_space<vmem>>, vector<1x16xi32>,
    %mul3A_895 = arith.constant 8 : i32
    %mul3A_896 = arith.muli %select_n3A, %mul3A_895 : i32
    %add3A_897 = arith.constant 4 : i32
    %add3A_898 = arith.addi %mul3A_896, %add3A_897 : i32
    %mul3A_899 = arith.constant 1024 : i32
    %mul3A_900 = arith.muli %add3A_898, %mul3A_899 : i32
    %add3A_901 = vector.broadcast %mul3A_900 : i32 to vector<16xi32>
    %add3A_902 = arith.addi %get3A_838, %add3A_901 : vector<16xi32>
    %swap3A_903 = arith.constant 4 : i32
    %swap3A_904 = arith.index_cast %swap3A_903 : i32 to index
    %swap3A_905 = arith.constant 112 : index
    %swap3A_906 = tpu.vector_load %arg6[%swap3A_904, %swap3A_905] {strides = array<i32>} : memref<8x128xi32, #tpu.memory_space<vmem>>, vector<1x16xi32>,
    %swap3A_907 = vector.shape_cast %swap3A_906 : vector<1x16xi32> to vector<16xi32>
    %swap3A_908 = vector.shape_cast %add3A_902 : vector<16xi32> to vector<1x16xi32>
    tpu.vector_store %arg6[%swap3A_904, %swap3A_905], %swap3A_908 {strides = array<i32>} : memref<8x128xi32, #tpu.memory_space<vmem>>, vector<1x16xi32>,
    %mul3A_909 = arith.constant 8 : i32
    %mul3A_910 = arith.muli %select_n3A, %mul3A_909 : i32
    %add3A_911 = arith.constant 5 : i32
    %add3A_912 = arith.addi %mul3A_910, %add3A_911 : i32
    %mul3A_913 = arith.constant 1024 : i32
    %mul3A_914 = arith.muli %add3A_912, %mul3A_913 : i32
    %add3A_915 = vector.broadcast %mul3A_914 : i32 to vector<16xi32>
    %add3A_916 = arith.addi %get3A_838, %add3A_915 : vector<16xi32>
    %swap3A_917 = arith.constant 5 : i32
    %swap3A_918 = arith.index_cast %swap3A_917 : i32 to index
    %swap3A_919 = arith.constant 112 : index
    %swap3A_920 = tpu.vector_load %arg6[%swap3A_918, %swap3A_919] {strides = array<i32>} : memref<8x128xi32, #tpu.memory_space<vmem>>, vector<1x16xi32>,
    %swap3A_921 = vector.shape_cast %swap3A_920 : vector<1x16xi32> to vector<16xi32>
    %swap3A_922 = vector.shape_cast %add3A_916 : vector<16xi32> to vector<1x16xi32>
    tpu.vector_store %arg6[%swap3A_918, %swap3A_919], %swap3A_922 {strides = array<i32>} : memref<8x128xi32, #tpu.memory_space<vmem>>, vector<1x16xi32>,
    %mul3A_923 = arith.constant 8 : i32
    %mul3A_924 = arith.muli %select_n3A, %mul3A_923 : i32
    %add3A_925 = arith.constant 6 : i32
    %add3A_926 = arith.addi %mul3A_924, %add3A_925 : i32
    %mul3A_927 = arith.constant 1024 : i32
    %mul3A_928 = arith.muli %add3A_926, %mul3A_927 : i32
    %add3A_929 = vector.broadcast %mul3A_928 : i32 to vector<16xi32>
    %add3A_930 = arith.addi %get3A_838, %add3A_929 : vector<16xi32>
    %swap3A_931 = arith.constant 6 : i32
    %swap3A_932 = arith.index_cast %swap3A_931 : i32 to index
    %swap3A_933 = arith.constant 112 : index
    %swap3A_934 = tpu.vector_load %arg6[%swap3A_932, %swap3A_933] {strides = array<i32>} : memref<8x128xi32, #tpu.memory_space<vmem>>, vector<1x16xi32>,
    %swap3A_935 = vector.shape_cast %swap3A_934 : vector<1x16xi32> to vector<16xi32>
    %swap3A_936 = vector.shape_cast %add3A_930 : vector<16xi32> to vector<1x16xi32>
    tpu.vector_store %arg6[%swap3A_932, %swap3A_933], %swap3A_936 {strides = array<i32>} : memref<8x128xi32, #tpu.memory_space<vmem>>, vector<1x16xi32>,
    %mul3A_937 = arith.constant 8 : i32
    %mul3A_938 = arith.muli %select_n3A, %mul3A_937 : i32
    %add3A_939 = arith.constant 7 : i32
    %add3A_940 = arith.addi %mul3A_938, %add3A_939 : i32
    %mul3A_941 = arith.constant 1024 : i32
    %mul3A_942 = arith.muli %add3A_940, %mul3A_941 : i32
    %add3A_943 = vector.broadcast %mul3A_942 : i32 to vector<16xi32>
    %add3A_944 = arith.addi %get3A_838, %add3A_943 : vector<16xi32>
    %swap3A_945 = arith.constant 7 : i32
    %swap3A_946 = arith.index_cast %swap3A_945 : i32 to index
    %swap3A_947 = arith.constant 112 : index
    %swap3A_948 = tpu.vector_load %arg6[%swap3A_946, %swap3A_947] {strides = array<i32>} : memref<8x128xi32, #tpu.memory_space<vmem>>, vector<1x16xi32>,
    %swap3A_949 = vector.shape_cast %swap3A_948 : vector<1x16xi32> to vector<16xi32>
    %swap3A_950 = vector.shape_cast %add3A_944 : vector<16xi32> to vector<1x16xi32>
    tpu.vector_store %arg6[%swap3A_946, %swap3A_947], %swap3A_950 {strides = array<i32>} : memref<8x128xi32, #tpu.memory_space<vmem>>, vector<1x16xi32>,
    %dma_start3A = arith.constant 0 : i32
    %dma_start3A_951 = arith.constant 0 : i32
    %dma_start3A_952 = arith.constant 0 : i32
    %dma_start3A_953 = arith.constant 0 : i32
    %dma_start3A_954 = tpu.memref_slice %arg7[%dma_start3A_951, %dma_start3A_952, %dma_start3A_953] : memref<2x128x128xf32, #tpu.memory_space<vmem>> -> memref<1x128x128xf32, #tpu.memory_space<vmem>>
    %dma_start3A_955 = tpu.memref_squeeze %dma_start3A_954 : memref<1x128x128xf32, #tpu.memory_space<vmem>> -> memref<128x128xf32, #tpu.memory_space<vmem>>
    %dma_start3A_956 = arith.constant 0 : i32
    %dma_start3A_957 = tpu.memref_slice %arg6[%dma_start3A, %dma_start3A_956] : memref<8x128xi32, #tpu.memory_space<vmem>> -> memref<1x128xi32, #tpu.memory_space<vmem>>
    %dma_start3A_958 = tpu.memref_squeeze %dma_start3A_957 : memref<1x128xi32, #tpu.memory_space<vmem>> -> memref<128xi32, #tpu.memory_space<vmem>>
    %dma_start3A_959 = arith.constant 0 : i32
    %dma_start3A_960 = arith.constant 0 : i32
    %dma_start3A_961 = tpu.memref_slice %arg2[%dma_start3A_959, %dma_start3A_960] : memref<131072x128xf32, #tpu.memory_space<hbm>> -> memref<131072x128xf32, #tpu.memory_space<hbm>>
    tpu.enqueue_indirect_dma source(%dma_start3A_961 : memref<131072x128xf32, #tpu.memory_space<hbm>>) target(%dma_start3A_955 : memref<128x128xf32, #tpu.memory_space<vmem>>) offsets(%dma_start3A_958 : memref<128xi32, #tpu.memory_space<vmem>>) semaphore(%arg9 : memref<!tpu.dma_semaphore, #tpu.memory_space<semaphore_mem>>)
    %dma_start3A_962 = arith.constant 1 : i32
    %dma_start3A_963 = arith.constant 1 : i32
    %dma_start3A_964 = arith.constant 0 : i32
    %dma_start3A_965 = arith.constant 0 : i32
    %dma_start3A_966 = tpu.memref_slice %arg7[%dma_start3A_963, %dma_start3A_964, %dma_start3A_965] : memref<2x128x128xf32, #tpu.memory_space<vmem>> -> memref<1x128x128xf32, #tpu.memory_space<vmem>>
    %dma_start3A_967 = tpu.memref_squeeze %dma_start3A_966 : memref<1x128x128xf32, #tpu.memory_space<vmem>> -> memref<128x128xf32, #tpu.memory_space<vmem>>
    %dma_start3A_968 = arith.constant 0 : i32
    %dma_start3A_969 = tpu.memref_slice %arg6[%dma_start3A_962, %dma_start3A_968] : memref<8x128xi32, #tpu.memory_space<vmem>> -> memref<1x128xi32, #tpu.memory_space<vmem>>
    %dma_start3A_970 = tpu.memref_squeeze %dma_start3A_969 : memref<1x128xi32, #tpu.memory_space<vmem>> -> memref<128xi32, #tpu.memory_space<vmem>>
    %dma_start3A_971 = arith.constant 0 : i32
    %dma_start3A_972 = arith.constant 0 : i32
    %dma_start3A_973 = tpu.memref_slice %arg2[%dma_start3A_971, %dma_start3A_972] : memref<131072x128xf32, #tpu.memory_space<hbm>> -> memref<131072x128xf32, #tpu.memory_space<hbm>>
    tpu.enqueue_indirect_dma source(%dma_start3A_973 : memref<131072x128xf32, #tpu.memory_space<hbm>>) target(%dma_start3A_967 : memref<128x128xf32, #tpu.memory_space<vmem>>) offsets(%dma_start3A_970 : memref<128xi32, #tpu.memory_space<vmem>>) semaphore(%arg9 : memref<!tpu.dma_semaphore, #tpu.memory_space<semaphore_mem>>)
    %dma_start3A_974 = arith.constant 2 : i32
    %dma_start3A_975 = arith.constant 0 : i32
    %dma_start3A_976 = arith.constant 0 : i32
    %dma_start3A_977 = arith.constant 0 : i32
    %dma_start3A_978 = tpu.memref_slice %arg8[%dma_start3A_975, %dma_start3A_976, %dma_start3A_977] : memref<2x128x128xf32, #tpu.memory_space<vmem>> -> memref<1x128x128xf32, #tpu.memory_space<vmem>>
    %dma_start3A_979 = tpu.memref_squeeze %dma_start3A_978 : memref<1x128x128xf32, #tpu.memory_space<vmem>> -> memref<128x128xf32, #tpu.memory_space<vmem>>
    %dma_start3A_980 = arith.constant 0 : i32
    %dma_start3A_981 = tpu.memref_slice %arg6[%dma_start3A_974, %dma_start3A_980] : memref<8x128xi32, #tpu.memory_space<vmem>> -> memref<1x128xi32, #tpu.memory_space<vmem>>
    %dma_start3A_982 = tpu.memref_squeeze %dma_start3A_981 : memref<1x128xi32, #tpu.memory_space<vmem>> -> memref<128xi32, #tpu.memory_space<vmem>>
    %dma_start3A_983 = arith.constant 0 : i32
    %dma_start3A_984 = arith.constant 0 : i32
    %dma_start3A_985 = tpu.memref_slice %arg2[%dma_start3A_983, %dma_start3A_984] : memref<131072x128xf32, #tpu.memory_space<hbm>> -> memref<131072x128xf32, #tpu.memory_space<hbm>>
    tpu.enqueue_indirect_dma source(%dma_start3A_985 : memref<131072x128xf32, #tpu.memory_space<hbm>>) target(%dma_start3A_979 : memref<128x128xf32, #tpu.memory_space<vmem>>) offsets(%dma_start3A_982 : memref<128xi32, #tpu.memory_space<vmem>>) semaphore(%arg10 : memref<!tpu.dma_semaphore, #tpu.memory_space<semaphore_mem>>)
    %dma_start3A_986 = arith.constant 3 : i32
    %dma_start3A_987 = arith.constant 1 : i32
    %dma_start3A_988 = arith.constant 0 : i32
    %dma_start3A_989 = arith.constant 0 : i32
    %dma_start3A_990 = tpu.memref_slice %arg8[%dma_start3A_987, %dma_start3A_988, %dma_start3A_989] : memref<2x128x128xf32, #tpu.memory_space<vmem>> -> memref<1x128x128xf32, #tpu.memory_space<vmem>>
    %dma_start3A_991 = tpu.memref_squeeze %dma_start3A_990 : memref<1x128x128xf32, #tpu.memory_space<vmem>> -> memref<128x128xf32, #tpu.memory_space<vmem>>
    %dma_start3A_992 = arith.constant 0 : i32
    %dma_start3A_993 = tpu.memref_slice %arg6[%dma_start3A_986, %dma_start3A_992] : memref<8x128xi32, #tpu.memory_space<vmem>> -> memref<1x128xi32, #tpu.memory_space<vmem>>
    %dma_start3A_994 = tpu.memref_squeeze %dma_start3A_993 : memref<1x128xi32, #tpu.memory_space<vmem>> -> memref<128xi32, #tpu.memory_space<vmem>>
    %dma_start3A_995 = arith.constant 0 : i32
    %dma_start3A_996 = arith.constant 0 : i32
    %dma_start3A_997 = tpu.memref_slice %arg2[%dma_start3A_995, %dma_start3A_996] : memref<131072x128xf32, #tpu.memory_space<hbm>> -> memref<131072x128xf32, #tpu.memory_space<hbm>>
    tpu.enqueue_indirect_dma source(%dma_start3A_997 : memref<131072x128xf32, #tpu.memory_space<hbm>>) target(%dma_start3A_991 : memref<128x128xf32, #tpu.memory_space<vmem>>) offsets(%dma_start3A_994 : memref<128xi32, #tpu.memory_space<vmem>>) semaphore(%arg10 : memref<!tpu.dma_semaphore, #tpu.memory_space<semaphore_mem>>)
    %dma_wait3A = arith.constant 0 : i32
    %dma_wait3A_998 = arith.constant 0 : i32
    %dma_wait3A_999 = arith.constant 0 : i32
    %dma_wait3A_1000 = arith.constant 0 : i32
    %dma_wait3A_1001 = tpu.memref_slice %arg7[%dma_wait3A_998, %dma_wait3A_999, %dma_wait3A_1000] : memref<2x128x128xf32, #tpu.memory_space<vmem>> -> memref<1x128x128xf32, #tpu.memory_space<vmem>>
    %dma_wait3A_1002 = tpu.memref_squeeze %dma_wait3A_1001 : memref<1x128x128xf32, #tpu.memory_space<vmem>> -> memref<128x128xf32, #tpu.memory_space<vmem>>
    %dma_wait3A_1003 = arith.constant 0 : i32
    %dma_wait3A_1004 = tpu.memref_slice %arg6[%dma_wait3A, %dma_wait3A_1003] : memref<8x128xi32, #tpu.memory_space<vmem>> -> memref<1x128xi32, #tpu.memory_space<vmem>>
    %dma_wait3A_1005 = tpu.memref_squeeze %dma_wait3A_1004 : memref<1x128xi32, #tpu.memory_space<vmem>> -> memref<128xi32, #tpu.memory_space<vmem>>
    %dma_wait3A_1006 = arith.constant 0 : i32
    %dma_wait3A_1007 = arith.constant 0 : i32
    %dma_wait3A_1008 = tpu.memref_slice %arg2[%dma_wait3A_1006, %dma_wait3A_1007] : memref<131072x128xf32, #tpu.memory_space<hbm>> -> memref<131072x128xf32, #tpu.memory_space<hbm>>
    tpu.wait_indirect_dma semaphore(%arg9 : memref<!tpu.dma_semaphore, #tpu.memory_space<semaphore_mem>>) src(%dma_wait3A_1008 : memref<131072x128xf32, #tpu.memory_space<hbm>>) dst(%dma_wait3A_1002 : memref<128x128xf32, #tpu.memory_space<vmem>>)
    %dma_wait3A_1009 = arith.constant 1 : i32
    %dma_wait3A_1010 = arith.constant 1 : i32
    %dma_wait3A_1011 = arith.constant 0 : i32
    %dma_wait3A_1012 = arith.constant 0 : i32
    %dma_wait3A_1013 = tpu.memref_slice %arg7[%dma_wait3A_1010, %dma_wait3A_1011, %dma_wait3A_1012] : memref<2x128x128xf32, #tpu.memory_space<vmem>> -> memref<1x128x128xf32, #tpu.memory_space<vmem>>
    %dma_wait3A_1014 = tpu.memref_squeeze %dma_wait3A_1013 : memref<1x128x128xf32, #tpu.memory_space<vmem>> -> memref<128x128xf32, #tpu.memory_space<vmem>>
    %dma_wait3A_1015 = arith.constant 0 : i32
    %dma_wait3A_1016 = tpu.memref_slice %arg6[%dma_wait3A_1009, %dma_wait3A_1015] : memref<8x128xi32, #tpu.memory_space<vmem>> -> memref<1x128xi32, #tpu.memory_space<vmem>>
    %dma_wait3A_1017 = tpu.memref_squeeze %dma_wait3A_1016 : memref<1x128xi32, #tpu.memory_space<vmem>> -> memref<128xi32, #tpu.memory_space<vmem>>
    %dma_wait3A_1018 = arith.constant 0 : i32
    %dma_wait3A_1019 = arith.constant 0 : i32
    %dma_wait3A_1020 = tpu.memref_slice %arg2[%dma_wait3A_1018, %dma_wait3A_1019] : memref<131072x128xf32, #tpu.memory_space<hbm>> -> memref<131072x128xf32, #tpu.memory_space<hbm>>
    tpu.wait_indirect_dma semaphore(%arg9 : memref<!tpu.dma_semaphore, #tpu.memory_space<semaphore_mem>>) src(%dma_wait3A_1020 : memref<131072x128xf32, #tpu.memory_space<hbm>>) dst(%dma_wait3A_1014 : memref<128x128xf32, #tpu.memory_space<vmem>>)
    "tpu.region"() ({
      %run_scoped3A = tpu.sem_alloc : memref<!tpu.dma_semaphore, #tpu.memory_space<semaphore_mem>>
      %dma_start3A_1141 = arith.constant 0 : i32
      %dma_start3A_1142 = arith.constant 0 : i32
      %dma_start3A_1143 = arith.constant 0 : i32
      %dma_start3A_1144 = tpu.memref_slice %arg4[%select_n3A, %dma_start3A_1141, %select_n3A_30, %dma_start3A_1142, %dma_start3A_1143] : memref<16x8x2x128x128xf32, #tpu.memory_space<hbm>> -> memref<1x2x1x128x128xf32, #tpu.memory_space<hbm>>
      %dma_start3A_1145 = tpu.memref_squeeze %dma_start3A_1144 : memref<1x2x1x128x128xf32, #tpu.memory_space<hbm>> -> memref<2x128x128xf32, #tpu.memory_space<hbm>>
      %dma_start3A_1146 = arith.constant 0 : i32
      %dma_start3A_1147 = arith.constant 0 : i32
      %dma_start3A_1148 = arith.constant 0 : i32
      %dma_start3A_1149 = tpu.memref_slice %arg4[%select_n3A, %dma_start3A_1146, %select_n3A_30, %dma_start3A_1147, %dma_start3A_1148] : memref<16x8x2x128x128xf32, #tpu.memory_space<hbm>> -> memref<1x2x1x128x128xf32, #tpu.memory_space<hbm>>
      %dma_start3A_1150 = tpu.memref_squeeze %dma_start3A_1149 : memref<1x2x1x128x128xf32, #tpu.memory_space<hbm>> -> memref<2x128x128xf32, #tpu.memory_space<hbm>>
      tpu.enqueue_dma source(%arg7 : memref<2x128x128xf32, #tpu.memory_space<vmem>>) target(%dma_start3A_1150 : memref<2x128x128xf32, #tpu.memory_space<hbm>>) target_semaphore(%run_scoped3A : memref<!tpu.dma_semaphore, #tpu.memory_space<semaphore_mem>>)
      %dma_wait3A_1151 = arith.constant 0 : i32
      %dma_wait3A_1152 = arith.constant 0 : i32
      %dma_wait3A_1153 = arith.constant 0 : i32
      %dma_wait3A_1154 = tpu.memref_slice %arg4[%select_n3A, %dma_wait3A_1151, %select_n3A_30, %dma_wait3A_1152, %dma_wait3A_1153] : memref<16x8x2x128x128xf32, #tpu.memory_space<hbm>> -> memref<1x2x1x128x128xf32, #tpu.memory_space<hbm>>
      %dma_wait3A_1155 = tpu.memref_squeeze %dma_wait3A_1154 : memref<1x2x1x128x128xf32, #tpu.memory_space<hbm>> -> memref<2x128x128xf32, #tpu.memory_space<hbm>>
      %dma_wait3A_1156 = arith.constant 0 : i32
      %dma_wait3A_1157 = arith.constant 0 : i32
      %dma_wait3A_1158 = arith.constant 0 : i32
      %dma_wait3A_1159 = tpu.memref_slice %arg4[%select_n3A, %dma_wait3A_1156, %select_n3A_30, %dma_wait3A_1157, %dma_wait3A_1158] : memref<16x8x2x128x128xf32, #tpu.memory_space<hbm>> -> memref<1x2x1x128x128xf32, #tpu.memory_space<hbm>>
      %dma_wait3A_1160 = tpu.memref_squeeze %dma_wait3A_1159 : memref<1x2x1x128x128xf32, #tpu.memory_space<hbm>> -> memref<2x128x128xf32, #tpu.memory_space<hbm>>
      tpu.wait_dma2 semaphore(%run_scoped3A : memref<!tpu.dma_semaphore, #tpu.memory_space<semaphore_mem>>) src(%arg7 : memref<2x128x128xf32, #tpu.memory_space<vmem>>) dst(%dma_wait3A_1160 : memref<2x128x128xf32, #tpu.memory_space<hbm>>)
      tpu.yield
    }) : () -> ()
    %dma_start3A_1021 = arith.constant 4 : i32
    %dma_start3A_1022 = arith.constant 0 : i32
    %dma_start3A_1023 = arith.constant 0 : i32
    %dma_start3A_1024 = arith.constant 0 : i32
    %dma_start3A_1025 = tpu.memref_slice %arg7[%dma_start3A_1022, %dma_start3A_1023, %dma_start3A_1024] : memref<2x128x128xf32, #tpu.memory_space<vmem>> -> memref<1x128x128xf32, #tpu.memory_space<vmem>>
    %dma_start3A_1026 = tpu.memref_squeeze %dma_start3A_1025 : memref<1x128x128xf32, #tpu.memory_space<vmem>> -> memref<128x128xf32, #tpu.memory_space<vmem>>
    %dma_start3A_1027 = arith.constant 0 : i32
    %dma_start3A_1028 = tpu.memref_slice %arg6[%dma_start3A_1021, %dma_start3A_1027] : memref<8x128xi32, #tpu.memory_space<vmem>> -> memref<1x128xi32, #tpu.memory_space<vmem>>
    %dma_start3A_1029 = tpu.memref_squeeze %dma_start3A_1028 : memref<1x128xi32, #tpu.memory_space<vmem>> -> memref<128xi32, #tpu.memory_space<vmem>>
    %dma_start3A_1030 = arith.constant 0 : i32
    %dma_start3A_1031 = arith.constant 0 : i32
    %dma_start3A_1032 = tpu.memref_slice %arg2[%dma_start3A_1030, %dma_start3A_1031] : memref<131072x128xf32, #tpu.memory_space<hbm>> -> memref<131072x128xf32, #tpu.memory_space<hbm>>
    tpu.enqueue_indirect_dma source(%dma_start3A_1032 : memref<131072x128xf32, #tpu.memory_space<hbm>>) target(%dma_start3A_1026 : memref<128x128xf32, #tpu.memory_space<vmem>>) offsets(%dma_start3A_1029 : memref<128xi32, #tpu.memory_space<vmem>>) semaphore(%arg9 : memref<!tpu.dma_semaphore, #tpu.memory_space<semaphore_mem>>)
    %dma_start3A_1033 = arith.constant 5 : i32
    %dma_start3A_1034 = arith.constant 1 : i32
    %dma_start3A_1035 = arith.constant 0 : i32
    %dma_start3A_1036 = arith.constant 0 : i32
    %dma_start3A_1037 = tpu.memref_slice %arg7[%dma_start3A_1034, %dma_start3A_1035, %dma_start3A_1036] : memref<2x128x128xf32, #tpu.memory_space<vmem>> -> memref<1x128x128xf32, #tpu.memory_space<vmem>>
    %dma_start3A_1038 = tpu.memref_squeeze %dma_start3A_1037 : memref<1x128x128xf32, #tpu.memory_space<vmem>> -> memref<128x128xf32, #tpu.memory_space<vmem>>
    %dma_start3A_1039 = arith.constant 0 : i32
    %dma_start3A_1040 = tpu.memref_slice %arg6[%dma_start3A_1033, %dma_start3A_1039] : memref<8x128xi32, #tpu.memory_space<vmem>> -> memref<1x128xi32, #tpu.memory_space<vmem>>
    %dma_start3A_1041 = tpu.memref_squeeze %dma_start3A_1040 : memref<1x128xi32, #tpu.memory_space<vmem>> -> memref<128xi32, #tpu.memory_space<vmem>>
    %dma_start3A_1042 = arith.constant 0 : i32
    %dma_start3A_1043 = arith.constant 0 : i32
    %dma_start3A_1044 = tpu.memref_slice %arg2[%dma_start3A_1042, %dma_start3A_1043] : memref<131072x128xf32, #tpu.memory_space<hbm>> -> memref<131072x128xf32, #tpu.memory_space<hbm>>
    tpu.enqueue_indirect_dma source(%dma_start3A_1044 : memref<131072x128xf32, #tpu.memory_space<hbm>>) target(%dma_start3A_1038 : memref<128x128xf32, #tpu.memory_space<vmem>>) offsets(%dma_start3A_1041 : memref<128xi32, #tpu.memory_space<vmem>>) semaphore(%arg9 : memref<!tpu.dma_semaphore, #tpu.memory_space<semaphore_mem>>)
    %dma_wait3A_1045 = arith.constant 2 : i32
    %dma_wait3A_1046 = arith.constant 0 : i32
    %dma_wait3A_1047 = arith.constant 0 : i32
    %dma_wait3A_1048 = arith.constant 0 : i32
    %dma_wait3A_1049 = tpu.memref_slice %arg8[%dma_wait3A_1046, %dma_wait3A_1047, %dma_wait3A_1048] : memref<2x128x128xf32, #tpu.memory_space<vmem>> -> memref<1x128x128xf32, #tpu.memory_space<vmem>>
    %dma_wait3A_1050 = tpu.memref_squeeze %dma_wait3A_1049 : memref<1x128x128xf32, #tpu.memory_space<vmem>> -> memref<128x128xf32, #tpu.memory_space<vmem>>
    %dma_wait3A_1051 = arith.constant 0 : i32
    %dma_wait3A_1052 = tpu.memref_slice %arg6[%dma_wait3A_1045, %dma_wait3A_1051] : memref<8x128xi32, #tpu.memory_space<vmem>> -> memref<1x128xi32, #tpu.memory_space<vmem>>
    %dma_wait3A_1053 = tpu.memref_squeeze %dma_wait3A_1052 : memref<1x128xi32, #tpu.memory_space<vmem>> -> memref<128xi32, #tpu.memory_space<vmem>>
    %dma_wait3A_1054 = arith.constant 0 : i32
    %dma_wait3A_1055 = arith.constant 0 : i32
    %dma_wait3A_1056 = tpu.memref_slice %arg2[%dma_wait3A_1054, %dma_wait3A_1055] : memref<131072x128xf32, #tpu.memory_space<hbm>> -> memref<131072x128xf32, #tpu.memory_space<hbm>>
    tpu.wait_indirect_dma semaphore(%arg10 : memref<!tpu.dma_semaphore, #tpu.memory_space<semaphore_mem>>) src(%dma_wait3A_1056 : memref<131072x128xf32, #tpu.memory_space<hbm>>) dst(%dma_wait3A_1050 : memref<128x128xf32, #tpu.memory_space<vmem>>)
    %dma_wait3A_1057 = arith.constant 3 : i32
    %dma_wait3A_1058 = arith.constant 1 : i32
    %dma_wait3A_1059 = arith.constant 0 : i32
    %dma_wait3A_1060 = arith.constant 0 : i32
    %dma_wait3A_1061 = tpu.memref_slice %arg8[%dma_wait3A_1058, %dma_wait3A_1059, %dma_wait3A_1060] : memref<2x128x128xf32, #tpu.memory_space<vmem>> -> memref<1x128x128xf32, #tpu.memory_space<vmem>>
    %dma_wait3A_1062 = tpu.memref_squeeze %dma_wait3A_1061 : memref<1x128x128xf32, #tpu.memory_space<vmem>> -> memref<128x128xf32, #tpu.memory_space<vmem>>
    %dma_wait3A_1063 = arith.constant 0 : i32
    %dma_wait3A_1064 = tpu.memref_slice %arg6[%dma_wait3A_1057, %dma_wait3A_1063] : memref<8x128xi32, #tpu.memory_space<vmem>> -> memref<1x128xi32, #tpu.memory_space<vmem>>
    %dma_wait3A_1065 = tpu.memref_squeeze %dma_wait3A_1064 : memref<1x128xi32, #tpu.memory_space<vmem>> -> memref<128xi32, #tpu.memory_space<vmem>>
    %dma_wait3A_1066 = arith.constant 0 : i32
    %dma_wait3A_1067 = arith.constant 0 : i32
    %dma_wait3A_1068 = tpu.memref_slice %arg2[%dma_wait3A_1066, %dma_wait3A_1067] : memref<131072x128xf32, #tpu.memory_space<hbm>> -> memref<131072x128xf32, #tpu.memory_space<hbm>>
    tpu.wait_indirect_dma semaphore(%arg10 : memref<!tpu.dma_semaphore, #tpu.memory_space<semaphore_mem>>) src(%dma_wait3A_1068 : memref<131072x128xf32, #tpu.memory_space<hbm>>) dst(%dma_wait3A_1062 : memref<128x128xf32, #tpu.memory_space<vmem>>)
    "tpu.region"() ({
      %run_scoped3A = tpu.sem_alloc : memref<!tpu.dma_semaphore, #tpu.memory_space<semaphore_mem>>
      %dma_start3A_1141 = arith.constant 2 : i32
      %dma_start3A_1142 = arith.constant 0 : i32
      %dma_start3A_1143 = arith.constant 0 : i32
      %dma_start3A_1144 = tpu.memref_slice %arg4[%select_n3A, %dma_start3A_1141, %select_n3A_30, %dma_start3A_1142, %dma_start3A_1143] : memref<16x8x2x128x128xf32, #tpu.memory_space<hbm>> -> memref<1x2x1x128x128xf32, #tpu.memory_space<hbm>>
      %dma_start3A_1145 = tpu.memref_squeeze %dma_start3A_1144 : memref<1x2x1x128x128xf32, #tpu.memory_space<hbm>> -> memref<2x128x128xf32, #tpu.memory_space<hbm>>
      %dma_start3A_1146 = arith.constant 2 : i32
      %dma_start3A_1147 = arith.constant 0 : i32
      %dma_start3A_1148 = arith.constant 0 : i32
      %dma_start3A_1149 = tpu.memref_slice %arg4[%select_n3A, %dma_start3A_1146, %select_n3A_30, %dma_start3A_1147, %dma_start3A_1148] : memref<16x8x2x128x128xf32, #tpu.memory_space<hbm>> -> memref<1x2x1x128x128xf32, #tpu.memory_space<hbm>>
      %dma_start3A_1150 = tpu.memref_squeeze %dma_start3A_1149 : memref<1x2x1x128x128xf32, #tpu.memory_space<hbm>> -> memref<2x128x128xf32, #tpu.memory_space<hbm>>
      tpu.enqueue_dma source(%arg8 : memref<2x128x128xf32, #tpu.memory_space<vmem>>) target(%dma_start3A_1150 : memref<2x128x128xf32, #tpu.memory_space<hbm>>) target_semaphore(%run_scoped3A : memref<!tpu.dma_semaphore, #tpu.memory_space<semaphore_mem>>)
      %dma_wait3A_1151 = arith.constant 2 : i32
      %dma_wait3A_1152 = arith.constant 0 : i32
      %dma_wait3A_1153 = arith.constant 0 : i32
      %dma_wait3A_1154 = tpu.memref_slice %arg4[%select_n3A, %dma_wait3A_1151, %select_n3A_30, %dma_wait3A_1152, %dma_wait3A_1153] : memref<16x8x2x128x128xf32, #tpu.memory_space<hbm>> -> memref<1x2x1x128x128xf32, #tpu.memory_space<hbm>>
      %dma_wait3A_1155 = tpu.memref_squeeze %dma_wait3A_1154 : memref<1x2x1x128x128xf32, #tpu.memory_space<hbm>> -> memref<2x128x128xf32, #tpu.memory_space<hbm>>
      %dma_wait3A_1156 = arith.constant 2 : i32
      %dma_wait3A_1157 = arith.constant 0 : i32
      %dma_wait3A_1158 = arith.constant 0 : i32
      %dma_wait3A_1159 = tpu.memref_slice %arg4[%select_n3A, %dma_wait3A_1156, %select_n3A_30, %dma_wait3A_1157, %dma_wait3A_1158] : memref<16x8x2x128x128xf32, #tpu.memory_space<hbm>> -> memref<1x2x1x128x128xf32, #tpu.memory_space<hbm>>
      %dma_wait3A_1160 = tpu.memref_squeeze %dma_wait3A_1159 : memref<1x2x1x128x128xf32, #tpu.memory_space<hbm>> -> memref<2x128x128xf32, #tpu.memory_space<hbm>>
      tpu.wait_dma2 semaphore(%run_scoped3A : memref<!tpu.dma_semaphore, #tpu.memory_space<semaphore_mem>>) src(%arg8 : memref<2x128x128xf32, #tpu.memory_space<vmem>>) dst(%dma_wait3A_1160 : memref<2x128x128xf32, #tpu.memory_space<hbm>>)
      tpu.yield
    }) : () -> ()
    %dma_start3A_1069 = arith.constant 6 : i32
    %dma_start3A_1070 = arith.constant 0 : i32
    %dma_start3A_1071 = arith.constant 0 : i32
    %dma_start3A_1072 = arith.constant 0 : i32
    %dma_start3A_1073 = tpu.memref_slice %arg8[%dma_start3A_1070, %dma_start3A_1071, %dma_start3A_1072] : memref<2x128x128xf32, #tpu.memory_space<vmem>> -> memref<1x128x128xf32, #tpu.memory_space<vmem>>
    %dma_start3A_1074 = tpu.memref_squeeze %dma_start3A_1073 : memref<1x128x128xf32, #tpu.memory_space<vmem>> -> memref<128x128xf32, #tpu.memory_space<vmem>>
    %dma_start3A_1075 = arith.constant 0 : i32
    %dma_start3A_1076 = tpu.memref_slice %arg6[%dma_start3A_1069, %dma_start3A_1075] : memref<8x128xi32, #tpu.memory_space<vmem>> -> memref<1x128xi32, #tpu.memory_space<vmem>>
    %dma_start3A_1077 = tpu.memref_squeeze %dma_start3A_1076 : memref<1x128xi32, #tpu.memory_space<vmem>> -> memref<128xi32, #tpu.memory_space<vmem>>
    %dma_start3A_1078 = arith.constant 0 : i32
    %dma_start3A_1079 = arith.constant 0 : i32
    %dma_start3A_1080 = tpu.memref_slice %arg2[%dma_start3A_1078, %dma_start3A_1079] : memref<131072x128xf32, #tpu.memory_space<hbm>> -> memref<131072x128xf32, #tpu.memory_space<hbm>>
    tpu.enqueue_indirect_dma source(%dma_start3A_1080 : memref<131072x128xf32, #tpu.memory_space<hbm>>) target(%dma_start3A_1074 : memref<128x128xf32, #tpu.memory_space<vmem>>) offsets(%dma_start3A_1077 : memref<128xi32, #tpu.memory_space<vmem>>) semaphore(%arg10 : memref<!tpu.dma_semaphore, #tpu.memory_space<semaphore_mem>>)
    %dma_start3A_1081 = arith.constant 7 : i32
    %dma_start3A_1082 = arith.constant 1 : i32
    %dma_start3A_1083 = arith.constant 0 : i32
    %dma_start3A_1084 = arith.constant 0 : i32
    %dma_start3A_1085 = tpu.memref_slice %arg8[%dma_start3A_1082, %dma_start3A_1083, %dma_start3A_1084] : memref<2x128x128xf32, #tpu.memory_space<vmem>> -> memref<1x128x128xf32, #tpu.memory_space<vmem>>
    %dma_start3A_1086 = tpu.memref_squeeze %dma_start3A_1085 : memref<1x128x128xf32, #tpu.memory_space<vmem>> -> memref<128x128xf32, #tpu.memory_space<vmem>>
    %dma_start3A_1087 = arith.constant 0 : i32
    %dma_start3A_1088 = tpu.memref_slice %arg6[%dma_start3A_1081, %dma_start3A_1087] : memref<8x128xi32, #tpu.memory_space<vmem>> -> memref<1x128xi32, #tpu.memory_space<vmem>>
    %dma_start3A_1089 = tpu.memref_squeeze %dma_start3A_1088 : memref<1x128xi32, #tpu.memory_space<vmem>> -> memref<128xi32, #tpu.memory_space<vmem>>
    %dma_start3A_1090 = arith.constant 0 : i32
    %dma_start3A_1091 = arith.constant 0 : i32
    %dma_start3A_1092 = tpu.memref_slice %arg2[%dma_start3A_1090, %dma_start3A_1091] : memref<131072x128xf32, #tpu.memory_space<hbm>> -> memref<131072x128xf32, #tpu.memory_space<hbm>>
    tpu.enqueue_indirect_dma source(%dma_start3A_1092 : memref<131072x128xf32, #tpu.memory_space<hbm>>) target(%dma_start3A_1086 : memref<128x128xf32, #tpu.memory_space<vmem>>) offsets(%dma_start3A_1089 : memref<128xi32, #tpu.memory_space<vmem>>) semaphore(%arg10 : memref<!tpu.dma_semaphore, #tpu.memory_space<semaphore_mem>>)
    %dma_wait3A_1093 = arith.constant 4 : i32
    %dma_wait3A_1094 = arith.constant 0 : i32
    %dma_wait3A_1095 = arith.constant 0 : i32
    %dma_wait3A_1096 = arith.constant 0 : i32
    %dma_wait3A_1097 = tpu.memref_slice %arg7[%dma_wait3A_1094, %dma_wait3A_1095, %dma_wait3A_1096] : memref<2x128x128xf32, #tpu.memory_space<vmem>> -> memref<1x128x128xf32, #tpu.memory_space<vmem>>
    %dma_wait3A_1098 = tpu.memref_squeeze %dma_wait3A_1097 : memref<1x128x128xf32, #tpu.memory_space<vmem>> -> memref<128x128xf32, #tpu.memory_space<vmem>>
    %dma_wait3A_1099 = arith.constant 0 : i32
    %dma_wait3A_1100 = tpu.memref_slice %arg6[%dma_wait3A_1093, %dma_wait3A_1099] : memref<8x128xi32, #tpu.memory_space<vmem>> -> memref<1x128xi32, #tpu.memory_space<vmem>>
    %dma_wait3A_1101 = tpu.memref_squeeze %dma_wait3A_1100 : memref<1x128xi32, #tpu.memory_space<vmem>> -> memref<128xi32, #tpu.memory_space<vmem>>
    %dma_wait3A_1102 = arith.constant 0 : i32
    %dma_wait3A_1103 = arith.constant 0 : i32
    %dma_wait3A_1104 = tpu.memref_slice %arg2[%dma_wait3A_1102, %dma_wait3A_1103] : memref<131072x128xf32, #tpu.memory_space<hbm>> -> memref<131072x128xf32, #tpu.memory_space<hbm>>
    tpu.wait_indirect_dma semaphore(%arg9 : memref<!tpu.dma_semaphore, #tpu.memory_space<semaphore_mem>>) src(%dma_wait3A_1104 : memref<131072x128xf32, #tpu.memory_space<hbm>>) dst(%dma_wait3A_1098 : memref<128x128xf32, #tpu.memory_space<vmem>>)
    %dma_wait3A_1105 = arith.constant 5 : i32
    %dma_wait3A_1106 = arith.constant 1 : i32
    %dma_wait3A_1107 = arith.constant 0 : i32
    %dma_wait3A_1108 = arith.constant 0 : i32
    %dma_wait3A_1109 = tpu.memref_slice %arg7[%dma_wait3A_1106, %dma_wait3A_1107, %dma_wait3A_1108] : memref<2x128x128xf32, #tpu.memory_space<vmem>> -> memref<1x128x128xf32, #tpu.memory_space<vmem>>
    %dma_wait3A_1110 = tpu.memref_squeeze %dma_wait3A_1109 : memref<1x128x128xf32, #tpu.memory_space<vmem>> -> memref<128x128xf32, #tpu.memory_space<vmem>>
    %dma_wait3A_1111 = arith.constant 0 : i32
    %dma_wait3A_1112 = tpu.memref_slice %arg6[%dma_wait3A_1105, %dma_wait3A_1111] : memref<8x128xi32, #tpu.memory_space<vmem>> -> memref<1x128xi32, #tpu.memory_space<vmem>>
    %dma_wait3A_1113 = tpu.memref_squeeze %dma_wait3A_1112 : memref<1x128xi32, #tpu.memory_space<vmem>> -> memref<128xi32, #tpu.memory_space<vmem>>
    %dma_wait3A_1114 = arith.constant 0 : i32
    %dma_wait3A_1115 = arith.constant 0 : i32
    %dma_wait3A_1116 = tpu.memref_slice %arg2[%dma_wait3A_1114, %dma_wait3A_1115] : memref<131072x128xf32, #tpu.memory_space<hbm>> -> memref<131072x128xf32, #tpu.memory_space<hbm>>
    tpu.wait_indirect_dma semaphore(%arg9 : memref<!tpu.dma_semaphore, #tpu.memory_space<semaphore_mem>>) src(%dma_wait3A_1116 : memref<131072x128xf32, #tpu.memory_space<hbm>>) dst(%dma_wait3A_1110 : memref<128x128xf32, #tpu.memory_space<vmem>>)
    "tpu.region"() ({
      %run_scoped3A = tpu.sem_alloc : memref<!tpu.dma_semaphore, #tpu.memory_space<semaphore_mem>>
      %dma_start3A_1141 = arith.constant 4 : i32
      %dma_start3A_1142 = arith.constant 0 : i32
      %dma_start3A_1143 = arith.constant 0 : i32
      %dma_start3A_1144 = tpu.memref_slice %arg4[%select_n3A, %dma_start3A_1141, %select_n3A_30, %dma_start3A_1142, %dma_start3A_1143] : memref<16x8x2x128x128xf32, #tpu.memory_space<hbm>> -> memref<1x2x1x128x128xf32, #tpu.memory_space<hbm>>
      %dma_start3A_1145 = tpu.memref_squeeze %dma_start3A_1144 : memref<1x2x1x128x128xf32, #tpu.memory_space<hbm>> -> memref<2x128x128xf32, #tpu.memory_space<hbm>>
      %dma_start3A_1146 = arith.constant 4 : i32
      %dma_start3A_1147 = arith.constant 0 : i32
      %dma_start3A_1148 = arith.constant 0 : i32
      %dma_start3A_1149 = tpu.memref_slice %arg4[%select_n3A, %dma_start3A_1146, %select_n3A_30, %dma_start3A_1147, %dma_start3A_1148] : memref<16x8x2x128x128xf32, #tpu.memory_space<hbm>> -> memref<1x2x1x128x128xf32, #tpu.memory_space<hbm>>
      %dma_start3A_1150 = tpu.memref_squeeze %dma_start3A_1149 : memref<1x2x1x128x128xf32, #tpu.memory_space<hbm>> -> memref<2x128x128xf32, #tpu.memory_space<hbm>>
      tpu.enqueue_dma source(%arg7 : memref<2x128x128xf32, #tpu.memory_space<vmem>>) target(%dma_start3A_1150 : memref<2x128x128xf32, #tpu.memory_space<hbm>>) target_semaphore(%run_scoped3A : memref<!tpu.dma_semaphore, #tpu.memory_space<semaphore_mem>>)
      %dma_wait3A_1151 = arith.constant 4 : i32
      %dma_wait3A_1152 = arith.constant 0 : i32
      %dma_wait3A_1153 = arith.constant 0 : i32
      %dma_wait3A_1154 = tpu.memref_slice %arg4[%select_n3A, %dma_wait3A_1151, %select_n3A_30, %dma_wait3A_1152, %dma_wait3A_1153] : memref<16x8x2x128x128xf32, #tpu.memory_space<hbm>> -> memref<1x2x1x128x128xf32, #tpu.memory_space<hbm>>
      %dma_wait3A_1155 = tpu.memref_squeeze %dma_wait3A_1154 : memref<1x2x1x128x128xf32, #tpu.memory_space<hbm>> -> memref<2x128x128xf32, #tpu.memory_space<hbm>>
      %dma_wait3A_1156 = arith.constant 4 : i32
      %dma_wait3A_1157 = arith.constant 0 : i32
      %dma_wait3A_1158 = arith.constant 0 : i32
      %dma_wait3A_1159 = tpu.memref_slice %arg4[%select_n3A, %dma_wait3A_1156, %select_n3A_30, %dma_wait3A_1157, %dma_wait3A_1158] : memref<16x8x2x128x128xf32, #tpu.memory_space<hbm>> -> memref<1x2x1x128x128xf32, #tpu.memory_space<hbm>>
      %dma_wait3A_1160 = tpu.memref_squeeze %dma_wait3A_1159 : memref<1x2x1x128x128xf32, #tpu.memory_space<hbm>> -> memref<2x128x128xf32, #tpu.memory_space<hbm>>
      tpu.wait_dma2 semaphore(%run_scoped3A : memref<!tpu.dma_semaphore, #tpu.memory_space<semaphore_mem>>) src(%arg7 : memref<2x128x128xf32, #tpu.memory_space<vmem>>) dst(%dma_wait3A_1160 : memref<2x128x128xf32, #tpu.memory_space<hbm>>)
      tpu.yield
    }) : () -> ()
    %dma_wait3A_1117 = arith.constant 6 : i32
    %dma_wait3A_1118 = arith.constant 0 : i32
    %dma_wait3A_1119 = arith.constant 0 : i32
    %dma_wait3A_1120 = arith.constant 0 : i32
    %dma_wait3A_1121 = tpu.memref_slice %arg8[%dma_wait3A_1118, %dma_wait3A_1119, %dma_wait3A_1120] : memref<2x128x128xf32, #tpu.memory_space<vmem>> -> memref<1x128x128xf32, #tpu.memory_space<vmem>>
    %dma_wait3A_1122 = tpu.memref_squeeze %dma_wait3A_1121 : memref<1x128x128xf32, #tpu.memory_space<vmem>> -> memref<128x128xf32, #tpu.memory_space<vmem>>
    %dma_wait3A_1123 = arith.constant 0 : i32
    %dma_wait3A_1124 = tpu.memref_slice %arg6[%dma_wait3A_1117, %dma_wait3A_1123] : memref<8x128xi32, #tpu.memory_space<vmem>> -> memref<1x128xi32, #tpu.memory_space<vmem>>
    %dma_wait3A_1125 = tpu.memref_squeeze %dma_wait3A_1124 : memref<1x128xi32, #tpu.memory_space<vmem>> -> memref<128xi32, #tpu.memory_space<vmem>>
    %dma_wait3A_1126 = arith.constant 0 : i32
    %dma_wait3A_1127 = arith.constant 0 : i32
    %dma_wait3A_1128 = tpu.memref_slice %arg2[%dma_wait3A_1126, %dma_wait3A_1127] : memref<131072x128xf32, #tpu.memory_space<hbm>> -> memref<131072x128xf32, #tpu.memory_space<hbm>>
    tpu.wait_indirect_dma semaphore(%arg10 : memref<!tpu.dma_semaphore, #tpu.memory_space<semaphore_mem>>) src(%dma_wait3A_1128 : memref<131072x128xf32, #tpu.memory_space<hbm>>) dst(%dma_wait3A_1122 : memref<128x128xf32, #tpu.memory_space<vmem>>)
    %dma_wait3A_1129 = arith.constant 7 : i32
    %dma_wait3A_1130 = arith.constant 1 : i32
    %dma_wait3A_1131 = arith.constant 0 : i32
    %dma_wait3A_1132 = arith.constant 0 : i32
    %dma_wait3A_1133 = tpu.memref_slice %arg8[%dma_wait3A_1130, %dma_wait3A_1131, %dma_wait3A_1132] : memref<2x128x128xf32, #tpu.memory_space<vmem>> -> memref<1x128x128xf32, #tpu.memory_space<vmem>>
    %dma_wait3A_1134 = tpu.memref_squeeze %dma_wait3A_1133 : memref<1x128x128xf32, #tpu.memory_space<vmem>> -> memref<128x128xf32, #tpu.memory_space<vmem>>
    %dma_wait3A_1135 = arith.constant 0 : i32
    %dma_wait3A_1136 = tpu.memref_slice %arg6[%dma_wait3A_1129, %dma_wait3A_1135] : memref<8x128xi32, #tpu.memory_space<vmem>> -> memref<1x128xi32, #tpu.memory_space<vmem>>
    %dma_wait3A_1137 = tpu.memref_squeeze %dma_wait3A_1136 : memref<1x128xi32, #tpu.memory_space<vmem>> -> memref<128xi32, #tpu.memory_space<vmem>>
    %dma_wait3A_1138 = arith.constant 0 : i32
    %dma_wait3A_1139 = arith.constant 0 : i32
    %dma_wait3A_1140 = tpu.memref_slice %arg2[%dma_wait3A_1138, %dma_wait3A_1139] : memref<131072x128xf32, #tpu.memory_space<hbm>> -> memref<131072x128xf32, #tpu.memory_space<hbm>>
    tpu.wait_indirect_dma semaphore(%arg10 : memref<!tpu.dma_semaphore, #tpu.memory_space<semaphore_mem>>) src(%dma_wait3A_1140 : memref<131072x128xf32, #tpu.memory_space<hbm>>) dst(%dma_wait3A_1134 : memref<128x128xf32, #tpu.memory_space<vmem>>)
    "tpu.region"() ({
      %run_scoped3A = tpu.sem_alloc : memref<!tpu.dma_semaphore, #tpu.memory_space<semaphore_mem>>
      %dma_start3A_1141 = arith.constant 6 : i32
      %dma_start3A_1142 = arith.constant 0 : i32
      %dma_start3A_1143 = arith.constant 0 : i32
      %dma_start3A_1144 = tpu.memref_slice %arg4[%select_n3A, %dma_start3A_1141, %select_n3A_30, %dma_start3A_1142, %dma_start3A_1143] : memref<16x8x2x128x128xf32, #tpu.memory_space<hbm>> -> memref<1x2x1x128x128xf32, #tpu.memory_space<hbm>>
      %dma_start3A_1145 = tpu.memref_squeeze %dma_start3A_1144 : memref<1x2x1x128x128xf32, #tpu.memory_space<hbm>> -> memref<2x128x128xf32, #tpu.memory_space<hbm>>
      %dma_start3A_1146 = arith.constant 6 : i32
      %dma_start3A_1147 = arith.constant 0 : i32
      %dma_start3A_1148 = arith.constant 0 : i32
      %dma_start3A_1149 = tpu.memref_slice %arg4[%select_n3A, %dma_start3A_1146, %select_n3A_30, %dma_start3A_1147, %dma_start3A_1148] : memref<16x8x2x128x128xf32, #tpu.memory_space<hbm>> -> memref<1x2x1x128x128xf32, #tpu.memory_space<hbm>>
      %dma_start3A_1150 = tpu.memref_squeeze %dma_start3A_1149 : memref<1x2x1x128x128xf32, #tpu.memory_space<hbm>> -> memref<2x128x128xf32, #tpu.memory_space<hbm>>
      tpu.enqueue_dma source(%arg8 : memref<2x128x128xf32, #tpu.memory_space<vmem>>) target(%dma_start3A_1150 : memref<2x128x128xf32, #tpu.memory_space<hbm>>) target_semaphore(%run_scoped3A : memref<!tpu.dma_semaphore, #tpu.memory_space<semaphore_mem>>)
      %dma_wait3A_1151 = arith.constant 6 : i32
      %dma_wait3A_1152 = arith.constant 0 : i32
      %dma_wait3A_1153 = arith.constant 0 : i32
      %dma_wait3A_1154 = tpu.memref_slice %arg4[%select_n3A, %dma_wait3A_1151, %select_n3A_30, %dma_wait3A_1152, %dma_wait3A_1153] : memref<16x8x2x128x128xf32, #tpu.memory_space<hbm>> -> memref<1x2x1x128x128xf32, #tpu.memory_space<hbm>>
      %dma_wait3A_1155 = tpu.memref_squeeze %dma_wait3A_1154 : memref<1x2x1x128x128xf32, #tpu.memory_space<hbm>> -> memref<2x128x128xf32, #tpu.memory_space<hbm>>
      %dma_wait3A_1156 = arith.constant 6 : i32
      %dma_wait3A_1157 = arith.constant 0 : i32
      %dma_wait3A_1158 = arith.constant 0 : i32
      %dma_wait3A_1159 = tpu.memref_slice %arg4[%select_n3A, %dma_wait3A_1156, %select_n3A_30, %dma_wait3A_1157, %dma_wait3A_1158] : memref<16x8x2x128x128xf32, #tpu.memory_space<hbm>> -> memref<1x2x1x128x128xf32, #tpu.memory_space<hbm>>
      %dma_wait3A_1160 = tpu.memref_squeeze %dma_wait3A_1159 : memref<1x2x1x128x128xf32, #tpu.memory_space<hbm>> -> memref<2x128x128xf32, #tpu.memory_space<hbm>>
      tpu.wait_dma2 semaphore(%run_scoped3A : memref<!tpu.dma_semaphore, #tpu.memory_space<semaphore_mem>>) src(%arg8 : memref<2x128x128xf32, #tpu.memory_space<vmem>>) dst(%dma_wait3A_1160 : memref<2x128x128xf32, #tpu.memory_space<hbm>>)
      tpu.yield
    }) : () -> ()
    return
  }
}

module attributes {stable_mosaic.version = 14 : i64} {
  func.func @_tc_body(%arg0: i32, %arg1: memref<1x256x256xf32, #tpu.memory_space<vmem>>, %arg2: memref<1x8x256x128xf32, #tpu.memory_space<vmem>>, %arg3: memref<1x1024x32xf32, #tpu.memory_space<vmem>>, %arg4: memref<1x8x1024xi32, #tpu.memory_space<vmem>>, %arg5: memref<1x1x256xi32, #tpu.memory_space<vmem>>, %arg6: memref<256x256xf32, #tpu.memory_space<vmem>>, %arg7: memref<128x256xf32, #tpu.memory_space<vmem>>, %arg8: memref<32x256xf32, #tpu.memory_space<vmem>>, %arg9: memref<1x256xf32, #tpu.memory_space<vmem>>, %arg10: memref<1x256xf32, #tpu.memory_space<vmem>>, %arg11: memref<1x256x23xf32, #tpu.memory_space<vmem>>, %arg12: memref<1x256x8xf32, #tpu.memory_space<vmem>>) attributes {dimension_semantics = [#tpu.dimension_semantics<parallel>], iteration_bounds = array<i64: 16>, scalar_prefetch = 0 : i64, scratch_operands = 0 : i64, tpu.core_type = #tpu.core_type<tc>, window_params = [{transform_indices = @transform_0, window_bounds = array<i64: 1, 256, 256>}, {transform_indices = @transform_1, window_bounds = array<i64: 1, 8, 256, 128>}, {transform_indices = @transform_2, window_bounds = array<i64: 1, 1024, 32>}, {transform_indices = @transform_3, window_bounds = array<i64: 1, 8, 1024>}, {transform_indices = @transform_4, window_bounds = array<i64: 1, 1, 256>}, {pipeline_mode = #tpu.pipeline_mode<synchronous>, transform_indices = @transform_5, window_bounds = array<i64: 256, 256>}, {pipeline_mode = #tpu.pipeline_mode<synchronous>, transform_indices = @transform_6, window_bounds = array<i64: 128, 256>}, {pipeline_mode = #tpu.pipeline_mode<synchronous>, transform_indices = @transform_7, window_bounds = array<i64: 32, 256>}, {pipeline_mode = #tpu.pipeline_mode<synchronous>, transform_indices = @transform_8, window_bounds = array<i64: 1, 256>}, {pipeline_mode = #tpu.pipeline_mode<synchronous>, transform_indices = @transform_9, window_bounds = array<i64: 1, 256>}, {transform_indices = @transform_10, window_bounds = array<i64: 1, 256, 23>}, {transform_indices = @transform_11, window_bounds = array<i64: 1, 256, 8>}]} {
    %get3A = arith.constant 0 : index
    %get3A_0 = arith.constant 0 : index
    %get3A_1 = arith.constant 0 : index
    %get3A_2 = vector.load %arg1[%get3A, %get3A_0, %get3A_1] : memref<1x256x256xf32, #tpu.memory_space<vmem>>, vector<1x256x256xf32>
    %get3A_3 = vector.shape_cast %get3A_2 : vector<1x256x256xf32> to vector<256x256xf32>
    %get3A_4 = arith.constant 0 : index
    %get3A_5 = arith.constant 0 : index
    %get3A_6 = vector.load %arg6[%get3A_4, %get3A_5] : memref<256x256xf32, #tpu.memory_space<vmem>>, vector<256x256xf32>
    %dot_general3A = arith.constant dense<0.000000e+00> : vector<256x256xf32>
    %dot_general3A_7 = tpu.matmul %get3A_3, %get3A_6, %dot_general3A {dimension_numbers = #tpu.dot_dimension_numbers<[1], [0], [0], [1], [0, 0, 1, 1], [], []>, transpose_lhs_hint = false} : vector<256x256xf32>, vector<256x256xf32>, vector<256x256xf32> -> vector<256x256xf32>
    %iota3A = tpu.iota {dimensions = array<i32: 0>} : vector<256x256xi32>
    %iota3A_8 = tpu.iota {dimensions = array<i32: 1>} : vector<256x256xi32>
    %eq3A = arith.cmpi eq, %iota3A, %iota3A_8 : vector<256x256xi32>
    %convert_element_type3A = arith.extui %eq3A : vector<256x256xi1> to vector<256x256xi32>
    %convert_element_type3A_9 = arith.sitofp %convert_element_type3A : vector<256x256xi32> to vector<256x256xf32>
    %get3A_10 = arith.constant 0 : index
    %get3A_11 = arith.constant 0 : index
    %get3A_12 = arith.constant 0 : index
    %get3A_13 = vector.load %arg5[%get3A_10, %get3A_11, %get3A_12] : memref<1x1x256xi32, #tpu.memory_space<vmem>>, vector<1x1x256xi32>
    %get3A_14 = vector.shape_cast %get3A_13 : vector<1x1x256xi32> to vector<1x256xi32>
    %convert_element_type3A_15 = arith.sitofp %get3A_14 : vector<1x256xi32> to vector<1x256xf32>
    %dot_general3A_16 = arith.constant dense<0.000000e+00> : vector<256x1xf32>
    %dot_general3A_17 = tpu.matmul %convert_element_type3A_9, %convert_element_type3A_15, %dot_general3A_16 {dimension_numbers = #tpu.dot_dimension_numbers<[1], [1], [0], [0], [0, 0, 1, 0], [], []>, transpose_lhs_hint = false} : vector<256x256xf32>, vector<1x256xf32>, vector<256x1xf32> -> vector<256x1xf32>
    %iota3A_18 = tpu.iota {dimensions = array<i32: 1>} : vector<256x1024xi32>
    %convert_element_type3A_19 = arith.sitofp %iota3A_18 : vector<256x1024xi32> to vector<256x1024xf32>
    %eq3A_20 = vector.broadcast %dot_general3A_17 : vector<256x1xf32> to vector<256x1024xf32>
    %eq3A_21 = arith.cmpf oeq, %convert_element_type3A_19, %eq3A_20 : vector<256x1024xf32>
    %convert_element_type3A_22 = arith.extui %eq3A_21 : vector<256x1024xi1> to vector<256x1024xi32>
    %convert_element_type3A_23 = arith.sitofp %convert_element_type3A_22 : vector<256x1024xi32> to vector<256x1024xf32>
    %get3A_24 = arith.constant 0 : index
    %get3A_25 = arith.constant 0 : index
    %get3A_26 = arith.constant 0 : index
    %get3A_27 = vector.load %arg3[%get3A_24, %get3A_25, %get3A_26] : memref<1x1024x32xf32, #tpu.memory_space<vmem>>, vector<1x1024x32xf32>
    %get3A_28 = vector.shape_cast %get3A_27 : vector<1x1024x32xf32> to vector<1024x32xf32>
    %dot_general3A_29 = arith.constant dense<0.000000e+00> : vector<256x32xf32>
    %dot_general3A_30 = tpu.matmul %convert_element_type3A_23, %get3A_28, %dot_general3A_29 {dimension_numbers = #tpu.dot_dimension_numbers<[1], [0], [0], [1], [0, 0, 1, 1], [], []>, transpose_lhs_hint = false} : vector<256x1024xf32>, vector<1024x32xf32>, vector<256x32xf32> -> vector<256x32xf32>
    %get3A_31 = arith.constant 0 : index
    %get3A_32 = arith.constant 0 : index
    %get3A_33 = vector.load %arg8[%get3A_31, %get3A_32] : memref<32x256xf32, #tpu.memory_space<vmem>>, vector<32x256xf32>
    %dot_general3A_34 = arith.constant dense<0.000000e+00> : vector<256x256xf32>
    %dot_general3A_35 = tpu.matmul %dot_general3A_30, %get3A_33, %dot_general3A_34 {dimension_numbers = #tpu.dot_dimension_numbers<[1], [0], [0], [1], [0, 0, 1, 1], [], []>, transpose_lhs_hint = false} : vector<256x32xf32>, vector<32x256xf32>, vector<256x256xf32> -> vector<256x256xf32>
    %add3A = arith.addf %dot_general3A_7, %dot_general3A_35 : vector<256x256xf32>
    %get3A_36 = arith.constant 0 : index
    %get3A_37 = arith.constant 0 : index
    %get3A_38 = vector.load %arg9[%get3A_36, %get3A_37] : memref<1x256xf32, #tpu.memory_space<vmem>>, vector<1x256xf32>
    %add3A_39 = vector.broadcast %get3A_38 : vector<1x256xf32> to vector<256x256xf32>
    %add3A_40 = arith.addf %add3A, %add3A_39 : vector<256x256xf32>
    %get3A_41 = arith.constant 0 : index
    %get3A_42 = arith.constant 0 : index
    %get3A_43 = arith.constant 0 : index
    %get3A_44 = arith.constant 0 : index
    %get3A_45 = vector.load %arg2[%get3A_41, %get3A_42, %get3A_43, %get3A_44] : memref<1x8x256x128xf32, #tpu.memory_space<vmem>>, vector<1x8x256x128xf32>
    %get3A_46 = vector.shape_cast %get3A_45 : vector<1x8x256x128xf32> to vector<8x256x128xf32>
    %reshape3A = vector.shape_cast %get3A_46 : vector<8x256x128xf32> to vector<2048x128xf32>
    %get3A_47 = arith.constant 0 : index
    %get3A_48 = arith.constant 0 : index
    %get3A_49 = vector.load %arg7[%get3A_47, %get3A_48] : memref<128x256xf32, #tpu.memory_space<vmem>>, vector<128x256xf32>
    %dot_general3A_50 = arith.constant dense<0.000000e+00> : vector<2048x256xf32>
    %dot_general3A_51 = tpu.matmul %reshape3A, %get3A_49, %dot_general3A_50 {dimension_numbers = #tpu.dot_dimension_numbers<[1], [0], [0], [1], [0, 0, 1, 1], [], []>, transpose_lhs_hint = false} : vector<2048x128xf32>, vector<128x256xf32>, vector<2048x256xf32> -> vector<2048x256xf32>
    %reshape3A_52 = vector.shape_cast %dot_general3A_51 : vector<2048x256xf32> to vector<8x256x256xf32>
    %broadcast_in_dim3A = vector.shape_cast %add3A_40 : vector<256x256xf32> to vector<1x256x256xf32>
    %add3A_53 = vector.broadcast %broadcast_in_dim3A : vector<1x256x256xf32> to vector<8x256x256xf32>
    %add3A_54 = arith.addf %reshape3A_52, %add3A_53 : vector<8x256x256xf32>
    %max3A = arith.constant 0.000000e+00 : f32
    %max3A_55 = vector.broadcast %max3A : f32 to vector<8x256x256xf32>
    %max3A_56 = arith.maximumf %add3A_54, %max3A_55 : vector<8x256x256xf32>
    %get3A_57 = arith.constant 0 : index
    %get3A_58 = arith.constant 0 : index
    %get3A_59 = vector.load %arg10[%get3A_57, %get3A_58] : memref<1x256xf32, #tpu.memory_space<vmem>>, vector<1x256xf32>
    %broadcast_in_dim3A_60 = vector.shape_cast %get3A_59 : vector<1x256xf32> to vector<1x1x256xf32>
    %mul3A = vector.broadcast %broadcast_in_dim3A_60 : vector<1x1x256xf32> to vector<8x256x256xf32>
    %mul3A_61 = arith.mulf %max3A_56, %mul3A : vector<8x256x256xf32>
    %reduce_sum3A = arith.constant dense<0.000000e+00> : vector<8x256xf32>
    %reduce_sum3A_62 = vector.multi_reduction <add>, %mul3A_61, %reduce_sum3A [2] : vector<8x256x256xf32> to vector<8x256xf32>
    %reduce_max3A = arith.constant dense<0xFF800000> : vector<256xf32>
    %reduce_max3A_63 = vector.multi_reduction <maximumf>, %reduce_sum3A_62, %reduce_max3A [0] : vector<8x256xf32> to vector<256xf32>
    %broadcast_in_dim3A_64 = vector.shape_cast %reduce_max3A_63 : vector<256xf32> to vector<1x256xf32>
    %sub3A = vector.broadcast %broadcast_in_dim3A_64 : vector<1x256xf32> to vector<8x256xf32>
    %sub3A_65 = arith.subf %reduce_sum3A_62, %sub3A : vector<8x256xf32>
    %exp3A = math.exp %sub3A_65 : vector<8x256xf32>
    %reduce_sum3A_66 = arith.constant dense<0.000000e+00> : vector<256xf32>
    %reduce_sum3A_67 = vector.multi_reduction <add>, %exp3A, %reduce_sum3A_66 [0] : vector<8x256xf32> to vector<256xf32>
    %broadcast_in_dim3A_68 = vector.shape_cast %reduce_sum3A_67 : vector<256xf32> to vector<1x256xf32>
    %div3A = vector.broadcast %broadcast_in_dim3A_68 : vector<1x256xf32> to vector<8x256xf32>
    %div3A_69 = arith.divf %exp3A, %div3A : vector<8x256xf32>
    %dot_general3A_70 = arith.constant dense<0.000000e+00> : vector<256x8xf32>
    %dot_general3A_71 = tpu.matmul %convert_element_type3A_9, %div3A_69, %dot_general3A_70 {dimension_numbers = #tpu.dot_dimension_numbers<[1], [1], [0], [0], [0, 0, 1, 0], [], []>, transpose_lhs_hint = false} : vector<256x256xf32>, vector<8x256xf32>, vector<256x8xf32> -> vector<256x8xf32>
    %swap3A = arith.constant 0 : index
    %swap3A_72 = arith.constant 0 : index
    %swap3A_73 = arith.constant 0 : index
    %swap3A_74 = vector.load %arg12[%swap3A, %swap3A_72, %swap3A_73] : memref<1x256x8xf32, #tpu.memory_space<vmem>>, vector<1x256x8xf32>
    %swap3A_75 = vector.shape_cast %swap3A_74 : vector<1x256x8xf32> to vector<256x8xf32>
    %swap3A_76 = vector.shape_cast %dot_general3A_71 : vector<256x8xf32> to vector<1x256x8xf32>
    tpu.vector_store %arg12[%swap3A, %swap3A_72, %swap3A_73], %swap3A_76 {strides = array<i32>} : memref<1x256x8xf32, #tpu.memory_space<vmem>>, vector<1x256x8xf32>,
    %get3A_77 = arith.constant 0 : index
    %get3A_78 = arith.constant 0 : index
    %get3A_79 = arith.constant 0 : index
    %get3A_80 = vector.load %arg4[%get3A_77, %get3A_78, %get3A_79] : memref<1x8x1024xi32, #tpu.memory_space<vmem>>, vector<1x8x1024xi32>
    %get3A_81 = vector.shape_cast %get3A_80 : vector<1x8x1024xi32> to vector<8x1024xi32>
    %convert_element_type3A_82 = arith.sitofp %get3A_81 : vector<8x1024xi32> to vector<8x1024xf32>
    %dot_general3A_83 = arith.constant dense<0.000000e+00> : vector<8x256xf32>
    %dot_general3A_84 = tpu.matmul %convert_element_type3A_82, %convert_element_type3A_23, %dot_general3A_83 {dimension_numbers = #tpu.dot_dimension_numbers<[1], [1], [0], [0], [0, 0, 1, 0], [], []>, transpose_lhs_hint = false} : vector<8x1024xf32>, vector<256x1024xf32>, vector<8x256xf32> -> vector<8x256xf32>
    %iota3A_85 = tpu.iota {dimensions = array<i32: 2>} : vector<8x256x23xi32>
    %convert_element_type3A_86 = arith.sitofp %iota3A_85 : vector<8x256x23xi32> to vector<8x256x23xf32>
    %broadcast_in_dim3A_87 = vector.shape_cast %dot_general3A_84 : vector<8x256xf32> to vector<8x256x1xf32>
    %eq3A_88 = vector.broadcast %broadcast_in_dim3A_87 : vector<8x256x1xf32> to vector<8x256x23xf32>
    %eq3A_89 = arith.cmpf oeq, %eq3A_88, %convert_element_type3A_86 : vector<8x256x23xf32>
    %broadcast_in_dim3A_90 = vector.shape_cast %div3A_69 : vector<8x256xf32> to vector<8x256x1xf32>
    %jit3A = arith.constant 0.000000e+00 : f32
    %broadcast_in_dim3A_91 = vector.shape_cast %broadcast_in_dim3A_90 : vector<8x256x1xf32> to vector<8x256x1xf32>
    %broadcast_in_dim3A_92 = vector.broadcast %broadcast_in_dim3A_91 : vector<8x256x1xf32> to vector<8x256x23xf32>
    %broadcast_in_dim3A_93 = vector.broadcast %jit3A : f32 to vector<8x256x23xf32>
    %select_n3A = arith.select %eq3A_89, %broadcast_in_dim3A_92, %broadcast_in_dim3A_93 : vector<8x256x23xi1>, vector<8x256x23xf32>
    %reduce_sum3A_94 = arith.constant dense<0.000000e+00> : vector<256x23xf32>
    %reduce_sum3A_95 = vector.multi_reduction <add>, %select_n3A, %reduce_sum3A_94 [0] : vector<8x256x23xf32> to vector<256x23xf32>
    %swap3A_96 = arith.constant 0 : index
    %swap3A_97 = arith.constant 0 : index
    %swap3A_98 = arith.constant 0 : index
    %swap3A_99 = vector.load %arg11[%swap3A_96, %swap3A_97, %swap3A_98] : memref<1x256x23xf32, #tpu.memory_space<vmem>>, vector<1x256x23xf32>
    %swap3A_100 = vector.shape_cast %swap3A_99 : vector<1x256x23xf32> to vector<256x23xf32>
    %swap3A_101 = vector.shape_cast %reduce_sum3A_95 : vector<256x23xf32> to vector<1x256x23xf32>
    tpu.vector_store %arg11[%swap3A_96, %swap3A_97, %swap3A_98], %swap3A_101 {strides = array<i32>} : memref<1x256x23xf32, #tpu.memory_space<vmem>>, vector<1x256x23xf32>,
    return
  }
  func.func @transform_0(%arg0: i32) -> (i32, i32, i32) {
    %c0_i32 = arith.constant 0 : i32
    %c0_i32_0 = arith.constant 0 : i32
    %c0_i32_1 = arith.constant 0 : i32
    return %arg0, %c0_i32, %c0_i32_0 : i32, i32, i32
  }
  func.func @transform_1(%arg0: i32) -> (i32, i32, i32, i32) {
    %c0_i32 = arith.constant 0 : i32
    %c0_i32_0 = arith.constant 0 : i32
    %c0_i32_1 = arith.constant 0 : i32
    %c0_i32_2 = arith.constant 0 : i32
    return %arg0, %c0_i32, %c0_i32_0, %c0_i32_1 : i32, i32, i32, i32
  }
  func.func @transform_2(%arg0: i32) -> (i32, i32, i32) {
    %c0_i32 = arith.constant 0 : i32
    %c0_i32_0 = arith.constant 0 : i32
    %c0_i32_1 = arith.constant 0 : i32
    return %arg0, %c0_i32, %c0_i32_0 : i32, i32, i32
  }
  func.func @transform_3(%arg0: i32) -> (i32, i32, i32) {
    %c0_i32 = arith.constant 0 : i32
    %c0_i32_0 = arith.constant 0 : i32
    %c0_i32_1 = arith.constant 0 : i32
    return %arg0, %c0_i32, %c0_i32_0 : i32, i32, i32
  }
  func.func @transform_4(%arg0: i32) -> (i32, i32, i32) {
    %c0_i32 = arith.constant 0 : i32
    %c0_i32_0 = arith.constant 0 : i32
    %c0_i32_1 = arith.constant 0 : i32
    return %arg0, %c0_i32, %c0_i32_0 : i32, i32, i32
  }
  func.func @transform_5(%arg0: i32) -> (i32, i32) {
    %c0_i32 = arith.constant 0 : i32
    %c0_i32_0 = arith.constant 0 : i32
    %c0_i32_1 = arith.constant 0 : i32
    return %c0_i32, %c0_i32_0 : i32, i32
  }
  func.func @transform_6(%arg0: i32) -> (i32, i32) {
    %c0_i32 = arith.constant 0 : i32
    %c0_i32_0 = arith.constant 0 : i32
    %c0_i32_1 = arith.constant 0 : i32
    return %c0_i32, %c0_i32_0 : i32, i32
  }
  func.func @transform_7(%arg0: i32) -> (i32, i32) {
    %c0_i32 = arith.constant 0 : i32
    %c0_i32_0 = arith.constant 0 : i32
    %c0_i32_1 = arith.constant 0 : i32
    return %c0_i32, %c0_i32_0 : i32, i32
  }
  func.func @transform_8(%arg0: i32) -> (i32, i32) {
    %c0_i32 = arith.constant 0 : i32
    %c0_i32_0 = arith.constant 0 : i32
    %c0_i32_1 = arith.constant 0 : i32
    return %c0_i32, %c0_i32_0 : i32, i32
  }
  func.func @transform_9(%arg0: i32) -> (i32, i32) {
    %c0_i32 = arith.constant 0 : i32
    %c0_i32_0 = arith.constant 0 : i32
    %c0_i32_1 = arith.constant 0 : i32
    return %c0_i32, %c0_i32_0 : i32, i32
  }
  func.func @transform_10(%arg0: i32) -> (i32, i32, i32) {
    %c0_i32 = arith.constant 0 : i32
    %c0_i32_0 = arith.constant 0 : i32
    %c0_i32_1 = arith.constant 0 : i32
    return %arg0, %c0_i32, %c0_i32_0 : i32, i32, i32
  }
  func.func @transform_11(%arg0: i32) -> (i32, i32, i32) {
    %c0_i32 = arith.constant 0 : i32
    %c0_i32_0 = arith.constant 0 : i32
    %c0_i32_1 = arith.constant 0 : i32
    return %arg0, %c0_i32, %c0_i32_0 : i32, i32, i32
  }
}

</mosaic_0001>

<sc_bundles>
// kernel: kernel.4.cloned.1.call-start
scs
__scs_entry_jumppad:
0x0: {  	(pc) =	sbr.rel $0x88, $3  }
0x1: {  	(tag) =	ssettag $0x0;
	lr =	simm.s32 $0x1  }
0x2: {  	[smem:$0x3F99] =	sst lr;
	_ =	strace $0xD0000000  }
0x3: {  	_ = 	snop  }
0x4: {  	_ = 	snop  }
0x5: {  	_ = 	snop  }
0x6: {  	_ = 	snop  }
0x7: {  	_ = 	snop  }
__scs_overlays_trampoline_lowered:
0x8: {  	[smem:$0x3FA8] =	sst s0  }
0x9: {  	[smem:$0x3FA9] =	sst s1  }
0xa: {  	[smem:$0x3FAA] =	sst s2  }
0xb: {  	[smem:$0x3FAB] =	sst s3  }
0xc: {  	[smem:$0x3FAC] =	sst s4  }
0xd: {  	[smem:$0x3FAD] =	sst s5  }
0xe: {  	[smem:$0x3FAE] =	sst s6  }
0xf: {  	[smem:$0x3FAF] =	sst s7  }
0x10: {  	[smem:$0x3FB0] =	sst s8  }
0x11: {  	[smem:$0x3FB1] =	sst s9;
	s0 =	simm.s32 @!p0 $0x0  }
0x12: {  	s1 =	sld [smem:$0x3F97];
	s0 =	simm.s32 @p0 $0x1  }
0x13: {  	[smem:$0x3FB2] =	sst s0;
	s0 =	simm.s32 @!p1 $0x0  }
0x14: {  	s2 =	sld [smem:$0x3F96];
	s0 =	simm.s32 @p1 $0x1  }
0x15: {  	[smem:$0x3FB3] =	sst s0;
	s0 =	simm.s32 @!p2 $0x0  }
0x16: {  	s3 =	sld [smem:$0x3FDB];
	s0 =	simm.s32 @p2 $0x1  }
0x17: {  	s4 =	simm.s32 $0x1BF5;
	[smem:$0x3FB5] =	sst s0  }
0x18: {  	s0 =	sld [smem:$0x3F98];
	_ =	swait.ge [sflag:s4], $0x0  }
0x19: {  	s7 =	sld [smem:$0x3F99]  }
0x1a: {  	s8 =	sadd.s32 $0xFFFFE003, lr  }
0x1b: {  	s9 =	sadd.s32 $0xFFFFFEF7, lr;
	s5 =	simm.s32 $0xFFFFFFFF;
	p2 =	slt.u32 s8, $0xFFFFF086  }
0x1c: {  	p1 =	slt.u32 s9, $0xF7A;
	s5 =	simm.s32 @!p2 $0x0  }
0x1d: {  	s5 =	simm.s32 @p1 $0x1;
	p0 =	seq.s32 s7, s2  }
0x1e: {  	s7 =	smul.u32 @!p0 $0xF7A, s2;
	p2 =	seq.s32 @!p0 s5, $0x0  }
0x1f: {  	s9 =	smul.u32 $0xF7A, s1;
	s8 =	simm.s32 @!p0 $0x1BF5;
	p2 =	por !p2, p0  }
0x20: {  	[sflag:s8] =	ssyncset.s32 @!p0 $0xFFFFF086;
	s6 =	sadd.s32 @!p0 s3, s7;
	s7 =	simm.s32 @!p0 $0x108  }
0x21: {  	s3 =	sadd.s32 s3, s9;
	s6 =	sadd.s32 @!p0 $0x88, s6;
	s7 =	simm.s32 @p2 $0x1082  }
0x22: {  	[simem:s7], [sflag:s8] =	dma.local @!p0 [hbm:s6], $0xF7A  }
0x23: {  	s9 =	sor.u32 $0xD0000000, s2;
	s6 =	simm.s32 $0x108;
	_ =	swait.ge @!p0 [sflag:s8], $0x0  }
0x24: {  	s3 =	sadd.s32 $0x88, s3;
	s6 =	simm.s32 @!p1 $0x1082;
	[sflag:s4] =	ssyncset.s32 $0xFFFFF086  }
0x25: {  	[simem:s6], [sflag:s4] =	dma.local [hbm:s3], $0xF7A  }
0x26: {  	[smem:$0x3F99] =	sst s1;
	(tag) =	ssettag s2;
	_ =	strace s9  }
0x27: {  	s1 =	sld [smem:$0x3FA9]  }
0x28: {  	s2 =	sld [smem:$0x3FAA]  }
0x29: {  	s4 =	sld [smem:$0x3FAC]  }
0x2a: {  	p0 =	seq.s32 s5, $0x0;
	s5 =	sld [smem:$0x3FAD]  }
0x2b: {  	s6 =	sld [smem:$0x3FAE]  }
0x2c: {  	s7 =	sld [smem:$0x3FAF]  }
0x2d: {  	s3 =	simm.s32 $0x108;
	s8 =	sld [smem:$0x3FB0]  }
0x2e: {  	s3 =	simm.s32 @!p0 $0x1082;
	s9 =	sld [smem:$0x3FB1]  }
0x2f: {  	lr =	sadd.s32 s0, s3;
	s0 =	sld [smem:$0x3FA8]  }
0x30: {  	s3 =	sld [smem:$0x3FAB]  }
0x31: {  	[smem:$0x3FB4] =	sst s10  }
0x32: {  	s10 =	sld [smem:$0x3FB2];
	_ =	sdelay $0x3  }
0x33: {  	p0 =	seq.s32 s10, $0x1;
	s10 =	sld [smem:$0x3FB4];
	_ =	sdelay $0x3  }
0x34: {  	[smem:$0x3FB4] =	sst s10  }
0x35: {  	s10 =	sld [smem:$0x3FB3];
	_ =	sdelay $0x3  }
0x36: {  	p1 =	seq.s32 s10, $0x1;
	s10 =	sld [smem:$0x3FB4];
	_ =	sdelay $0x3  }
0x37: {  	[smem:$0x3FB4] =	sst s10  }
0x38: {  	s10 =	sld [smem:$0x3FB5]  }
0x39: {  	_ = 	snop;
	(pc) =	sbr.ind lr, $3  }
0x3a: {  	_ = 	snop  }
0x3b: {  	_ = 	snop  }
0x3c: {  	p2 =	seq.s32 s10, $0x1;
	s10 =	sld [smem:$0x3FB4]  }
0x3d: {  	_ =	shalt  }
0x3e: {  	_ =	shalt  }
0x3f: {  	_ =	shalt  }
0x40: {  	_ =	shalt  }
0x41: {  	_ =	shalt  }
0x42: {  	_ =	shalt  }
0x43: {  	_ =	shalt  }
0x44: {  	_ =	shalt  }
0x45: {  	_ =	shalt  }
0x46: {  	_ =	shalt  }
0x47: {  	_ =	shalt  }
0x48: {  	_ =	shalt  }
0x49: {  	_ =	shalt  }
0x4a: {  	_ =	shalt  }
0x4b: {  	_ =	shalt  }
0x4c: {  	_ =	shalt  }
0x4d: {  	_ =	shalt  }
0x4e: {  	_ =	shalt  }
0x4f: {  	_ =	shalt  }
0x50: {  	_ =	shalt  }
0x51: {  	_ =	shalt  }
0x52: {  	_ =	shalt  }
0x53: {  	_ =	shalt  }
0x54: {  	_ =	shalt  }
0x55: {  	_ =	shalt  }
0x56: {  	_ =	shalt  }
0x57: {  	_ =	shalt  }
0x58: {  	_ =	shalt  }
0x59: {  	_ =	shalt  }
0x5a: {  	_ =	shalt  }
0x5b: {  	_ =	shalt  }
0x5c: {  	_ =	shalt  }
0x5d: {  	_ =	shalt  }
0x5e: {  	_ =	shalt  }
0x5f: {  	_ =	shalt  }
0x60: {  	_ =	shalt  }
0x61: {  	_ =	shalt  }
0x62: {  	_ =	shalt  }
0x63: {  	_ =	shalt  }
0x64: {  	_ =	shalt  }
0x65: {  	_ =	shalt  }
0x66: {  	_ =	shalt  }
0x67: {  	_ =	shalt  }
0x68: {  	_ =	shalt  }
0x69: {  	_ =	shalt  }
0x6a: {  	_ =	shalt  }
0x6b: {  	_ =	shalt  }
0x6c: {  	_ =	shalt  }
0x6d: {  	_ =	shalt  }
0x6e: {  	_ =	shalt  }
0x6f: {  	_ =	shalt  }
0x70: {  	_ =	shalt  }
0x71: {  	_ =	shalt  }
0x72: {  	_ =	shalt  }
0x73: {  	_ =	shalt  }
0x74: {  	_ =	shalt  }
0x75: {  	_ =	shalt  }
0x76: {  	_ =	shalt  }
0x77: {  	_ =	shalt  }
0x78: {  	_ =	shalt  }
0x79: {  	_ =	shalt  }
0x7a: {  	_ =	shalt  }
0x7b: {  	_ =	shalt  }
0x7c: {  	_ =	shalt  }
0x7d: {  	_ =	shalt  }
0x7e: {  	_ =	shalt  }
0x7f: {  	_ =	shalt  }
0x80: {  	_ =	shalt  }
0x81: {  	_ =	shalt  }
0x82: {  	_ =	shalt  }
0x83: {  	_ =	shalt  }
0x84: {  	_ =	shalt  }
0x85: {  	_ =	shalt  }
0x86: {  	_ =	shalt  }
0x87: {  	_ =	shalt  }
.Lfunc_end0:
.L_simem_size_0:
called_computation.1_lowered:
.L_overlay_start_0:
0x88: {  	s2 =	sld [smem:$0x3FD9]  }
0x89: {  	s3 =	sld [smem:$0x3FFE];
	_ =	sdelay $0x1  }
0x8a: {  	s1 =	srdreg.scid  }
0x8b: {  	s0 =	sand.u32 $0x1, s1  }
0x8c: {  	s14 =	sshll.u32 s0, $0xA;
	s2 =	sadd.s32 s3, s2  }
0x8d: {  	s2 =	sadd.s32 s2, s14  }
0x8e: {  	[smem:$0x3FC0] =	sst s2  }
0x8f: {  	_ = 	snop  }
0x90: {  	s2 =	sld [smem:$0x3FD0];
	_ =	sdelay $0x2  }
0x91: {  	s15 =	simm.s32 $0xA;
	s4 =	simm.s32 $0x10  }
0x92: {  	[smem:s4], [sflag:s15] =	dma.local [hbm:s2], $0x1  }
0x93: {  	_ =	swait.eq [sflag:s15], $0x1  }
0x94: {  	[sflag:s15] =	ssyncset.done $0x0  }
0x95: {  	[sflag:s15] =	ssyncadd.s32 $0xFFFFFFFF  }
0x96: {  	s16 =	sld [smem:$0x11];
	(tm) =	ssettm $0x1  }
0x97: {  	s17 =	sld [smem:$0x3FFB];
	_ =	sdelay $0x3  }
0x98: {  	_ =	strace s17  }
0x99: {  	s3 =	sld [smem:$0x3FFC];
	_ =	sdelay $0x3  }
0x9a: {  	_ =	strace s3  }
0x9b: {  	s3 =	sld [smem:$0x3FFD];
	_ =	sdelay $0x3  }
0x9c: {  	_ =	strace s3  }
0x9d: {  	_ =	strace $0x8FFFFFFF  }
0x9e: {  	s18 =	sld [smem:$0x3FDB];
	_ =	sdelay $0x1  }
0x9f: {  	s19 =	simm.s32 $_scs_section_size  }
0xa0: {  	s5 =	simm.s32 $_size__tile_overlayer_lowered;
	s6 =	simm.s32 $_tile_overlayer_lowered  }
0xa1: {  	s22 =	simm.s32 $0x1BFF;
	s21 =	sshll.u32 s6, $0x1;
	s3 =	sadd.s32 s19, s18  }
0xa2: {  	s7 =	simm.s32 $0x0;
	s20 =	sshll.u32 s5, $0x1;
	s5 =	sadd.s32 s21, s3  }
0xa3: {  	[timem:s7], [sflag:s22] =	dma.local [hbm:s5], s20  }
0xa4: {  	_ =	swait.ge [sflag:s22], s20  }
0xa5: {  	s4 =	ssub.s32 $0x0, s20;
	[sflag:s22] =	ssyncset.done $0x0  }
0xa6: {  	[sflag:s22] =	ssyncadd.s32 s4;
	_ =	sdelay $0x1  }
0xa7: {  	s23 =	simm.s32 $0x1B8B  }
0xa8: {  	_ =	swait.ge [sflag:s23], $0x1  }
0xa9: {  	[sflag:s23] =	ssyncset.done $0x0  }
0xaa: {  	s25 =	simm.s32 $0x1B8E;
	s24 =	sld [smem:$0x3FFE];
	[sflag:s23] =	ssyncadd.s32 $0xFFFFFFFF  }
0xab: {  	s26 =	simm.s32 $execute0_lowered;
	[smem:$0x3FD2] =	sst s25  }
0xac: {  	s5 =	sshll.u32 s26, $0x1;
	_ =	strace $0x80000049;
	[dreg:$0x1] =	wrdreg $0xFFFFFFFF  }
0xad: {  	s28 =	simm.s32 $_size_execute0_lowered;
	s3 =	sadd.s32 s3, s5;
	[dreg:$0x0] =	wrdreg $0x0  }
0xae: {  	s5 =	sshll.u32 s28, $0x1;
	[dreg:$0x2] =	wrdreg s3  }
0xaf: {  	[dreg:$0x3] =	wrdreg s5  }
0xb0: {  	[dreg:$0x4] =	wrdreg $0xC0  }
0xb1: {  	_ =	task [dreg:s7], $0x5FFFF  }
0xb2: {  	[dreg:$0x1] =	wrdreg $0xFFFFFFFF  }
0xb3: {  	[dreg:$0x0] =	wrdreg $0x60  }
0xb4: {  	[dreg:$0x2] =	wrdreg s24  }
0xb5: {  	[dreg:$0x3] =	wrdreg s16  }
0xb6: {  	[dreg:$0x4] =	wrdreg $0x9  }
0xb7: {  	_ =	task.clear_ibuf [dreg:s7], $0x5FFFF;
	_ =	strace $0x90000049  }
0xb8: {  	s29 =	simm.s32 $0x9;
	_ =	strace $0x8000004B  }
0xb9: {  	_ =	swait.ge [sflag:s29], $0x1  }
0xba: {  	[sflag:s29] =	ssyncadd.s32 $0xFFFFFFFF  }
0xbb: {  	_ =	strace $0x9000004B  }
0xbc: {  	_ =	sfence  }
0xbd: {  	s30 =	sld [smem:$0x0];
	_ =	sdelay $0x2  }
0xbe: {  	s31 =	sshll.u32 s1, $0xD;
	s1 =	sshrl.u32 s1, $0x2  }
0xbf: {  	s3 =	sand.u32 $0x4000, s31;
	s1 =	sadd.s32 s1, s30  }
0xc0: {  	s0 =	sor.u32 s3, s0;
	s1 =	sshll.u32 s1, $0x11  }
0xc1: {  	s0 =	sor.u32 s1, s0  }
0xc2: {  	s0 =	sadd.s32 $0x8F2B, s0  }
0xc3: {  	[sflag:s0] =	ssyncadd.remote.s32 $0x1  }
0xc4: {  	_ =	sfence.sel $0xFFFF  }
0xc5: {  	[dreg:$0x0] =	wrdreg $0xFFFFFFFF;
	(pc) =	sbr.abs _section_cstart, $3  }
0xc6: {  	[dreg:$0x1] =	wrdreg $0xFFFFFFFF  }
0xc7: {  	_ =	task.clear_ibuf [dreg:s7], $0x2FFFF;
	_ =	strace $0x9FFFFFFF  }
0xc8: {  	(tm) =	ssettm $0x7FFFFFFF  }
0xc9: {  	_ =	shalt  }
tec
execute0_lowered:
.L_overlay_start_1:
0x0: {  	(tag) =	ssettag $0x1  }
0x1: {  	s1 =	srdreg.scid;
	s7 =	rddreg [dreg:$0x0]  }
0x2: {  	s0 =	stileid.u32;
	s2 =	simm.s32 $0x1;
	s8 =	rddreg [dreg:$0x1]  }
0x3: {  	s12 =	simm.s32 $0x80;
	s13 =	simm.s32 $0x480;
	s14 =	simm.s32 $0x100  }
0x4: {  	s15 =	simm.s32 $0x4480;
	s5 =	sand.u32 $0x1, s1;
	s30 =	sshll.u32 s0, $0x1  }
0x5: {  	s16 =	simm.s32 $0x180;
	s17 =	simm.s32 $0x8480;
	s6 =	sor.u32 s5, s30  }
0x6: {  	s20 =	simm.s32 $0x4000;
	p1 =	seq.s32 s5, $0x1;
	p0 =	seq.s32 s6, $0x0  }
0x7: {  	s4 =	sshll.u32 s5, $0xE;
	s5 =	ssub.s32 $0x2, s5;
	p0 =	por !p0, !p1  }
0x8: {  	s1 =	rddreg [dreg:$0x2];
	s31 =	sshrl.u32 s5, $0x1;
	p0 =	por !p0, !p0  }
0x9: {  	s6 =	sshll.u32 s6, $0x4;
	s11 =	ssub.s32 s5, s31;
	s2 =	simm.s32 @!p0 $0x0  }
0xa: {  	s5 =	sadd.s32 s8, s6;
	s9 =	ssub.s32 s0, s2;
	s2 =	simm.s32 $0x0  }
0xb: {  	s3 =	sshll.u32 s9, $0x12;
	[smem:$0x7FF] =	sst s2;
	s18 =	sshll.u32 s9, $0xD  }
0xc: {  	s4 =	sor.u32 s4, s3;
	_ =	strace $0x8000004A;
	s3 =	sadd.s32 $0x201C00, s7  }
0xd: {  	s19 =	sor.u32 $0x400, s18;
	s21 =	sor.u32 $0x800, s18;
	s22 =	sor.u32 $0xC00, s18  }
0xe: {  	s23 =	sor.u32 $0x1000, s18;
	s24 =	sor.u32 $0x1400, s18;
	s25 =	sor.u32 $0x1800, s18  }
0xf: {  	s26 =	sor.u32 $0x1C00, s18;
	v0 =	vmov s18;
	s18 =	simm.s32 $0x200;
	s10 =	sshrl.u32 s4, $0x3  }
0x10: {  	s4 =	simm.s32 $0x1;
	v1 =	vmov s19;
	s19 =	simm.s32 $0xC480;
	v2 =	vmov s21;
	s21 =	simm.s32 $0x8000  }
0x11: {  	v3 =	vmov s22;
	v4 =	vmov s23;
	s22 =	simm.s32 $0x280;
	s23 =	simm.s32 $0x300;
	v5 =	vmov s24;
	s24 =	simm.s32 $0x2  }
0x12: {  	v6 =	vmov s25;
	v7 =	vmov s26;
	s25 =	simm.s32 $0x380;
	s26 =	simm.s32 $0x400;
	s10 =	sadd.s32 s10, s7  }
0x13: {  	s6 =	sadd.s32 $0x1C00, s10;
	s7 =	sadd.s32 $0x3C00, s10;
	s8 =	sadd.s32 $0x5C00, s10  }
0x14: {  	s9 =	sadd.s32 $0x7C00, s10;
	s10 =	smax.u32 s11, $0x1;
	s11 =	simm.s32 $0x3  }
.LBB2_1:
0x15: {  	[tilespmem:s2], [sflag:$0x3] =	stream.linear.gather [hbm4b:s5+s2], $0x80, $0x38;
	[tilespmem:$0x10480] =	vst v63  }
0x16: {  	_ =	swait.ge [sflag:s11], $0x80  }
0x17: {  	[sflag:s11] =	ssyncset.done $0x0  }
0x18: {  	[sflag:s11] =	ssyncadd.s32 $0xFFFFFF80  }
0x19: {  	v8 =	vld [tilespmem:$0x0];
	_ =	sdelay $0x4  }
0x1a: {  	v9 =	vadd.s32 v0, v8  }
0x1b: {  	v52 =	vadd.s32 v1, v8;
	[tilespmem:$0x80] =	vst v9  }
0x1c: {  	v53 =	vadd.s32 v2, v8;
	[tilespmem:$0x100] =	vst v52  }
0x1d: {  	v10 =	vld [tilespmem:$0x10];
	v54 =	vadd.s32 v3, v8;
	[tilespmem:$0x180] =	vst v53  }
0x1e: {  	v55 =	vadd.s32 v4, v8;
	[tilespmem:$0x200] =	vst v54  }
0x1f: {  	v56 =	vadd.s32 v5, v8;
	[tilespmem:$0x280] =	vst v55  }
0x20: {  	v57 =	vadd.s32 v6, v8;
	[tilespmem:$0x300] =	vst v56  }
0x21: {  	v8 =	vadd.s32 v7, v8;
	[tilespmem:$0x380] =	vst v57  }
0x22: {  	[tilespmem:$0x400] =	vst v8;
	v8 =	vadd.s32 v0, v10  }
0x23: {  	[tilespmem:$0x90] =	vst v8;
	v8 =	vadd.s32 v1, v10  }
0x24: {  	[tilespmem:$0x110] =	vst v8;
	v8 =	vadd.s32 v2, v10  }
0x25: {  	v58 =	vld [tilespmem:$0x20];
	[tilespmem:$0x190] =	vst v8;
	v8 =	vadd.s32 v3, v10  }
0x26: {  	[tilespmem:$0x210] =	vst v8;
	v8 =	vadd.s32 v4, v10  }
0x27: {  	[tilespmem:$0x290] =	vst v8;
	v8 =	vadd.s32 v5, v10  }
0x28: {  	[tilespmem:$0x310] =	vst v8;
	v8 =	vadd.s32 v6, v10  }
0x29: {  	[tilespmem:$0x390] =	vst v8;
	v8 =	vadd.s32 v7, v10  }
0x2a: {  	[tilespmem:$0x410] =	vst v8;
	v8 =	vadd.s32 v0, v58  }
0x2b: {  	[tilespmem:$0xA0] =	vst v8;
	v8 =	vadd.s32 v1, v58  }
0x2c: {  	[tilespmem:$0x120] =	vst v8;
	v8 =	vadd.s32 v2, v58  }
0x2d: {  	v59 =	vld [tilespmem:$0x30];
	[tilespmem:$0x1A0] =	vst v8;
	v8 =	vadd.s32 v3, v58  }
0x2e: {  	[tilespmem:$0x220] =	vst v8;
	v8 =	vadd.s32 v4, v58  }
0x2f: {  	[tilespmem:$0x2A0] =	vst v8;
	v8 =	vadd.s32 v5, v58  }
0x30: {  	[tilespmem:$0x320] =	vst v8;
	v8 =	vadd.s32 v6, v58  }
0x31: {  	[tilespmem:$0x3A0] =	vst v8;
	v8 =	vadd.s32 v7, v58  }
0x32: {  	[tilespmem:$0x420] =	vst v8;
	v8 =	vadd.s32 v0, v59  }
0x33: {  	[tilespmem:$0xB0] =	vst v8;
	v8 =	vadd.s32 v1, v59  }
0x34: {  	[tilespmem:$0x130] =	vst v8;
	v8 =	vadd.s32 v2, v59  }
0x35: {  	v60 =	vld [tilespmem:$0x40];
	[tilespmem:$0x1B0] =	vst v8;
	v8 =	vadd.s32 v3, v59  }
0x36: {  	[tilespmem:$0x230] =	vst v8;
	v8 =	vadd.s32 v4, v59  }
0x37: {  	[tilespmem:$0x2B0] =	vst v8;
	v8 =	vadd.s32 v5, v59  }
0x38: {  	[tilespmem:$0x330] =	vst v8;
	v8 =	vadd.s32 v6, v59  }
0x39: {  	[tilespmem:$0x3B0] =	vst v8;
	v8 =	vadd.s32 v7, v59  }
0x3a: {  	[tilespmem:$0x430] =	vst v8;
	v8 =	vadd.s32 v0, v60  }
0x3b: {  	[tilespmem:$0xC0] =	vst v8;
	v8 =	vadd.s32 v1, v60  }
0x3c: {  	[tilespmem:$0x140] =	vst v8;
	v8 =	vadd.s32 v2, v60  }
0x3d: {  	v61 =	vld [tilespmem:$0x50];
	[tilespmem:$0x1C0] =	vst v8;
	v8 =	vadd.s32 v3, v60  }
0x3e: {  	[tilespmem:$0x240] =	vst v8;
	v8 =	vadd.s32 v4, v60  }
0x3f: {  	[tilespmem:$0x2C0] =	vst v8;
	v8 =	vadd.s32 v5, v60  }
0x40: {  	[tilespmem:$0x340] =	vst v8;
	v8 =	vadd.s32 v6, v60  }
0x41: {  	[tilespmem:$0x3C0] =	vst v8;
	v8 =	vadd.s32 v7, v60  }
0x42: {  	[tilespmem:$0x440] =	vst v8;
	v8 =	vadd.s32 v0, v61  }
0x43: {  	[tilespmem:$0xD0] =	vst v8;
	v8 =	vadd.s32 v1, v61  }
0x44: {  	[tilespmem:$0x150] =	vst v8;
	v8 =	vadd.s32 v2, v61  }
0x45: {  	v62 =	vld [tilespmem:$0x60];
	[tilespmem:$0x1D0] =	vst v8;
	v8 =	vadd.s32 v3, v61  }
0x46: {  	[tilespmem:$0x250] =	vst v8;
	v8 =	vadd.s32 v4, v61  }
0x47: {  	[tilespmem:$0x2D0] =	vst v8;
	v8 =	vadd.s32 v5, v61  }
0x48: {  	[tilespmem:$0x350] =	vst v8;
	v8 =	vadd.s32 v6, v61  }
0x49: {  	[tilespmem:$0x3D0] =	vst v8;
	v8 =	vadd.s32 v7, v61  }
0x4a: {  	[tilespmem:$0x450] =	vst v8;
	v8 =	vadd.s32 v0, v62  }
0x4b: {  	[tilespmem:$0xE0] =	vst v8;
	v8 =	vadd.s32 v1, v62  }
0x4c: {  	[tilespmem:$0x160] =	vst v8;
	v8 =	vadd.s32 v2, v62  }
0x4d: {  	v63 =	vld [tilespmem:$0x70];
	[tilespmem:$0x1E0] =	vst v8;
	v8 =	vadd.s32 v3, v62  }
0x4e: {  	[tilespmem:$0x260] =	vst v8;
	v8 =	vadd.s32 v4, v62  }
0x4f: {  	[tilespmem:$0x2E0] =	vst v8;
	v8 =	vadd.s32 v5, v62  }
0x50: {  	[tilespmem:$0x360] =	vst v8;
	v8 =	vadd.s32 v6, v62  }
0x51: {  	[tilespmem:$0x3E0] =	vst v8;
	v8 =	vadd.s32 v7, v62  }
0x52: {  	[tilespmem:$0x460] =	vst v8;
	v8 =	vadd.s32 v0, v63  }
0x53: {  	[tilespmem:$0xF0] =	vst v8;
	v8 =	vadd.s32 v1, v63  }
0x54: {  	[tilespmem:$0x170] =	vst v8;
	v8 =	vadd.s32 v2, v63  }
0x55: {  	[tilespmem:$0x1F0] =	vst v8;
	v8 =	vadd.s32 v3, v63  }
0x56: {  	[tilespmem:$0x270] =	vst v8;
	v8 =	vadd.s32 v4, v63  }
0x57: {  	[tilespmem:$0x2F0] =	vst v8;
	v8 =	vadd.s32 v5, v63  }
0x58: {  	[tilespmem:$0x370] =	vst v8;
	v8 =	vadd.s32 v6, v63  }
0x59: {  	[tilespmem:$0x3F0] =	vst v8;
	v8 =	vadd.s32 v7, v63  }
0x5a: {  	[tilespmem:$0x470] =	vst v8  }
0x5b: {  	[tilespmem:s13], [sflag:$0x1] =	stream.indirect.gather [hbm4b:s3+s12], $0x80, s12, s12, $0xb8;
	[tilespmem:$0x10480] =	vst v63  }
0x5c: {  	_ = 	snop  }
0x5d: {  	[tilespmem:s15], [sflag:$0x1] =	stream.indirect.gather [hbm4b:s3+s12], $0x80, s14, s12, $0xb8;
	[tilespmem:$0x10480] =	vst v63  }
0x5e: {  	_ = 	snop  }
0x5f: {  	[tilespmem:s17], [sflag:$0x2] =	stream.indirect.gather [hbm4b:s3+s12], $0x80, s16, s12, $0xb8;
	[tilespmem:$0x10480] =	vst v63  }
0x60: {  	_ = 	snop  }
0x61: {  	[tilespmem:s19], [sflag:$0x2] =	stream.indirect.gather [hbm4b:s3+s12], $0x80, s18, s12, $0xb8;
	[tilespmem:$0x10480] =	vst v63  }
0x62: {  	_ =	swait.ge [sflag:s4], $0x4000  }
0x63: {  	[sflag:s4] =	ssyncset.done $0x0  }
0x64: {  	[sflag:s4] =	ssyncadd.s32 $0xFFFFC000  }
0x65: {  	_ =	swait.ge [sflag:s4], $0x4000  }
0x66: {  	[sflag:s4] =	ssyncset.done $0x0  }
0x67: {  	[sflag:s4] =	ssyncadd.s32 $0xFFFFC000  }
0x68: {  	[hbm4b:s6+s20] =	stream.strided.scatter [tilespmem:s13], [sflag:$0x3], $0x8000, s21, s20, $0x38;
	[tilespmem:$0x10480] =	vst v63  }
0x69: {  	_ =	swait.ge [sflag:s11], $0x8000  }
0x6a: {  	[sflag:s11] =	ssyncset.done $0x0  }
0x6b: {  	[sflag:s11] =	ssyncadd.s32 $0xFFFF8000  }
0x6c: {  	[tilespmem:s13], [sflag:$0x1] =	stream.indirect.gather [hbm4b:s3+s12], $0x80, s22, s12, $0xb8;
	[tilespmem:$0x10480] =	vst v63  }
0x6d: {  	_ = 	snop  }
0x6e: {  	[tilespmem:s15], [sflag:$0x1] =	stream.indirect.gather [hbm4b:s3+s12], $0x80, s23, s12, $0xb8;
	[tilespmem:$0x10480] =	vst v63  }
0x6f: {  	_ =	swait.ge [sflag:s24], $0x4000  }
0x70: {  	[sflag:s24] =	ssyncset.done $0x0  }
0x71: {  	[sflag:s24] =	ssyncadd.s32 $0xFFFFC000  }
0x72: {  	_ =	swait.ge [sflag:s24], $0x4000  }
0x73: {  	[sflag:s24] =	ssyncset.done $0x0  }
0x74: {  	[sflag:s24] =	ssyncadd.s32 $0xFFFFC000  }
0x75: {  	[hbm4b:s7+s20] =	stream.strided.scatter [tilespmem:s17], [sflag:$0x3], $0x8000, s21, s20, $0x38;
	[tilespmem:$0x10480] =	vst v63  }
0x76: {  	_ =	swait.ge [sflag:s11], $0x8000  }
0x77: {  	[sflag:s11] =	ssyncset.done $0x0  }
0x78: {  	[sflag:s11] =	ssyncadd.s32 $0xFFFF8000  }
0x79: {  	[tilespmem:s17], [sflag:$0x2] =	stream.indirect.gather [hbm4b:s3+s12], $0x80, s25, s12, $0xb8;
	[tilespmem:$0x10480] =	vst v63  }
0x7a: {  	_ = 	snop  }
0x7b: {  	[tilespmem:s19], [sflag:$0x2] =	stream.indirect.gather [hbm4b:s3+s12], $0x80, s26, s12, $0xb8;
	[tilespmem:$0x10480] =	vst v63  }
0x7c: {  	_ =	swait.ge [sflag:s4], $0x4000  }
0x7d: {  	[sflag:s4] =	ssyncset.done $0x0  }
0x7e: {  	[sflag:s4] =	ssyncadd.s32 $0xFFFFC000  }
0x7f: {  	_ =	swait.ge [sflag:s4], $0x4000  }
0x80: {  	[sflag:s4] =	ssyncset.done $0x0  }
0x81: {  	[sflag:s4] =	ssyncadd.s32 $0xFFFFC000  }
0x82: {  	[hbm4b:s8+s20] =	stream.strided.scatter [tilespmem:s13], [sflag:$0x3], $0x8000, s21, s20, $0x38;
	[tilespmem:$0x10480] =	vst v63  }
0x83: {  	_ =	swait.ge [sflag:s11], $0x8000  }
0x84: {  	[sflag:s11] =	ssyncset.done $0x0  }
0x85: {  	[sflag:s11] =	ssyncadd.s32 $0xFFFF8000  }
0x86: {  	_ =	swait.ge [sflag:s24], $0x4000  }
0x87: {  	[sflag:s24] =	ssyncset.done $0x0  }
0x88: {  	[sflag:s24] =	ssyncadd.s32 $0xFFFFC000  }
0x89: {  	_ =	swait.ge [sflag:s24], $0x4000  }
0x8a: {  	p0 =	sne.s32 s10, $0x1;
	[sflag:s24] =	ssyncset.done $0x0  }
.Ltmp0:
0x8b: {  	[sflag:s24] =	ssyncadd.s32 $0xFFFFC000;
	(pc) =	sbr.rel @p0 .LBB2_1-.Ltmp0, $4  }
0x8c: {  	[hbm4b:s9+s20] =	stream.strided.scatter [tilespmem:s17], [sflag:$0x3], $0x8000, s21, s20, $0x38;
	[tilespmem:$0x10480] =	vst v63  }
0x8d: {  	_ =	swait.ge [sflag:s11], $0x8000  }
0x8e: {  	[sflag:s11] =	ssyncset.done $0x0  }
0x8f: {  	s10 =	sadd.s32 $0xFFFFFFFF, s10;
	[sflag:s11] =	ssyncadd.s32 $0xFFFF8000  }
0x90: {  	_ =	sfence.sel $0x180000  }
0x91: {  	[bflag:$0x0] =	sbarrier.arrive $0xFFFF  }
0x92: {  	p0 =	sne.s32 s0, $0x0;
	_ =	strace $0x9000004A  }
0x93: {  	s0 =	sadd.s32 @!p0 $0x100000, s1;
	[bflag:$0x2] =	sbarrier.arrive $0xFFFF  }
0x94: {  	[sflag:s0] =	ssyncadd.tile.s32 @!p0 $0x1;
	_ =	shalt  }
.Lfunc_end2:
_tile_overlayer_lowered:
.L_overlay_start_2:
0x95: {  	(tag) =	ssettag $0x2  }
0x96: {  	s0 =	rddreg [dreg:$0x0];
	s2 =	stileid.u32  }
0x97: {  	s1 =	rddreg [dreg:$0x1];
	p0 =	sne.s32 s2, $0x0  }
0x98: {  	s3 =	rddreg [dreg:$0x2];
	[bflag:$0x3] =	sbarrier.arrive $0xFFFF;
	s2 =	simm.s32 @!p0 $0x1C03  }
0x99: {  	[timem:s3], [sflag:s2] =	dma.local @!p0 [hbm:s0], s1  }
0x9a: {  	s0 =	simm.s32 @!p0 $0x3  }
0x9b: {  	_ =	swait.ge @!p0 [sflag:s0], s1  }
0x9c: {  	s1 =	ssub.s32 @!p0 $0x0, s1;
	[sflag:s0] =	ssyncset.done @!p0 $0x0  }
0x9d: {  	[sflag:s0] =	ssyncadd.s32 @!p0 s1  }
0x9e: {  	[bflag:$0x3] =	sbarrier.arrive $0xFFFF  }
0x9f: {  	_ =	shalt  }

// kernel: sparse-core-data-format-call.cloned.1.call-start
scs
called_computation_lowered:
.L_overlay_start_0:
0x0: {  	s2 =	sld [smem:$0x3FD9]  }
0x1: {  	s3 =	sld [smem:$0x3FFE];
	_ =	sdelay $0x1  }
0x2: {  	s1 =	srdreg.scid  }
0x3: {  	s0 =	sand.u32 $0x1, s1  }
0x4: {  	s18 =	sshll.u32 s0, $0xA;
	s2 =	sadd.s32 s3, s2  }
0x5: {  	s2 =	sadd.s32 s2, s18  }
0x6: {  	[smem:$0x3FC0] =	sst s2  }
0x7: {  	_ = 	snop  }
0x8: {  	s2 =	sld [smem:$0x3FC8];
	(tm) =	ssettm $0x1  }
0x9: {  	s19 =	sld [smem:$0x3FFB];
	_ =	sdelay $0x3  }
0xa: {  	_ =	strace s19  }
0xb: {  	s3 =	sld [smem:$0x3FFC];
	_ =	sdelay $0x3  }
0xc: {  	_ =	strace s3  }
0xd: {  	s3 =	sld [smem:$0x3FFD];
	_ =	sdelay $0x3  }
0xe: {  	_ =	strace s3  }
0xf: {  	_ =	strace $0x8FFFFFFF  }
0x10: {  	s20 =	sld [smem:$0x3FDB];
	_ =	sdelay $0x1  }
0x11: {  	s4 =	simm.s32 $_scs_section_size  }
0x12: {  	s5 =	simm.s32 $_size__tile_overlayer_lowered;
	s6 =	simm.s32 $_tile_overlayer_lowered  }
0x13: {  	s23 =	simm.s32 $0x1BFF;
	s22 =	sshll.u32 s6, $0x1;
	s3 =	sadd.s32 s4, s20  }
0x14: {  	s7 =	simm.s32 $0x0;
	s21 =	sshll.u32 s5, $0x1;
	s5 =	sadd.s32 s22, s3  }
0x15: {  	[timem:s7], [sflag:s23] =	dma.local [hbm:s5], s21  }
0x16: {  	_ =	swait.ge [sflag:s23], s21  }
0x17: {  	s4 =	ssub.s32 $0x0, s21;
	[sflag:s23] =	ssyncset.done $0x0  }
0x18: {  	[sflag:s23] =	ssyncadd.s32 s4;
	_ =	sdelay $0x1  }
0x19: {  	s24 =	simm.s32 $0x1B8B  }
0x1a: {  	_ =	swait.ge [sflag:s24], $0x1  }
0x1b: {  	[sflag:s24] =	ssyncset.done $0x0  }
0x1c: {  	s26 =	simm.s32 $0x1B8E;
	s25 =	sld [smem:$0x3FFE];
	[sflag:s24] =	ssyncadd.s32 $0xFFFFFFFF  }
0x1d: {  	s27 =	simm.s32 $execute0_lowered;
	[smem:$0x3FD2] =	sst s26  }
0x1e: {  	s5 =	sshll.u32 s27, $0x1;
	_ =	strace $0x80000046;
	[dreg:$0x1] =	wrdreg $0xFFFFFFFF  }
0x1f: {  	s28 =	simm.s32 $_size_execute0_lowered;
	s3 =	sadd.s32 s3, s5;
	[dreg:$0x0] =	wrdreg $0x0  }
0x20: {  	s5 =	sshll.u32 s28, $0x1;
	[dreg:$0x2] =	wrdreg s3  }
0x21: {  	[dreg:$0x3] =	wrdreg s5  }
0x22: {  	[dreg:$0x4] =	wrdreg $0xC0  }
0x23: {  	_ =	task [dreg:s7], $0x5FFFF  }
0x24: {  	[dreg:$0x1] =	wrdreg $0xFFFFFFFF  }
0x25: {  	[dreg:$0x0] =	wrdreg $0x60  }
0x26: {  	[dreg:$0x2] =	wrdreg s2  }
0x27: {  	[dreg:$0x3] =	wrdreg s25  }
0x28: {  	[dreg:$0x4] =	wrdreg $0x9  }
0x29: {  	_ =	task.clear_ibuf [dreg:s7], $0x5FFFF;
	_ =	strace $0x90000046  }
0x2a: {  	s29 =	simm.s32 $0x9;
	_ =	strace $0x80000048  }
0x2b: {  	_ =	swait.ge [sflag:s29], $0x1  }
0x2c: {  	[sflag:s29] =	ssyncadd.s32 $0xFFFFFFFF  }
0x2d: {  	_ =	strace $0x90000048  }
0x2e: {  	_ =	sfence  }
0x2f: {  	s30 =	sld [smem:$0x0];
	_ =	sdelay $0x2  }
0x30: {  	s31 =	sshll.u32 s1, $0xD;
	s1 =	sshrl.u32 s1, $0x2  }
0x31: {  	s3 =	sand.u32 $0x4000, s31;
	s1 =	sadd.s32 s1, s30  }
0x32: {  	s0 =	sor.u32 s3, s0;
	s1 =	sshll.u32 s1, $0x11  }
0x33: {  	s0 =	sor.u32 s1, s0  }
0x34: {  	s0 =	sadd.s32 $0x8F2B, s0  }
0x35: {  	[sflag:s0] =	ssyncadd.remote.s32 $0x1  }
0x36: {  	_ =	sfence.sel $0xFFFF  }
0x37: {  	[dreg:$0x0] =	wrdreg $0xFFFFFFFF;
	(pc) =	sbr.abs _section_cstart, $3  }
0x38: {  	[dreg:$0x1] =	wrdreg $0xFFFFFFFF  }
0x39: {  	_ =	task.clear_ibuf [dreg:s7], $0x2FFFF;
	_ =	strace $0x9FFFFFFF  }
0x3a: {  	(tm) =	ssettm $0x7FFFFFFF  }
0x3b: {  	_ =	shalt  }
tec
execute0_lowered:
.L_overlay_start_1:
0x0: {  	(tag) =	ssettag $0x1  }
0x1: {  	s2 =	rddreg [dreg:$0x0]  }
0x2: {  	s1 =	rddreg [dreg:$0x1]  }
0x3: {  	s3 =	srdreg.scid;
	s0 =	rddreg [dreg:$0x2]  }
0x4: {  	_ =	strace $0x80000047;
	s5 =	simm.s32 $0x1;
	s8 =	simm.s32 $0x2  }
0x5: {  	s17 =	simm.s32 $0x0;
	p0 =	por $0x0, $0x0;
	s14 =	simm.s32 $0x0  }
0x6: {  	s15 =	simm.s32 $0x0;
	s16 =	simm.s32 $0x0;
	s10 =	simm.s32 $0x0  }
0x7: {  	s11 =	simm.s32 $0x0;
	s13 =	stileid.u32;
	s3 =	sand.u32 $0x1, s3  }
.Ltmp0:
0x8: {  	s4 =	sadd.s32 $0x1C00, s1;
	s6 =	ssub.s32 $0x8, s3;
	(pc) =	sbr.rel .LBB1_1-.Ltmp0, $4  }
0x9: {  	s1 =	stileid.u32;
	[sflag:s5] =	ssyncpa.u1 $0x0;
	s7 =	sshrl.u32 s6, $0x1  }
0xa: {  	[sflag:s8] =	ssyncpa.u1 $0x0;
	s8 =	simm.s32 $0x80;
	s9 =	sadd.s32 s3, s7  }
0xb: {  	s12 =	smov.u32 s3;
	s6 =	ssub.s32 s6, s7;
	s31 =	sshll.u32 s9, $0x2  }
0xc: {  	s6 =	sshll.u32 s6, $0x2;
	s9 =	simm.s32 $0x0;
	s7 =	ssub.s32 $0x22, s31  }
.LBB1_4:
0xd: {  	_ = 	snop  }
0xe: {  	[tilespmem:s22+$0x1860 ss:$0x41] =	vst.msk $0xffff, v8  }
0xf: {  	[tilespmem:s22+$0x1C70 ss:$0x41] =	vst.msk $0xffff, v7  }
0x10: {  	[tilespmem:s22+$0x2490 ss:$0x41] =	vst.msk $0xffff, v1  }
0x11: {  	s25 =	sor.u32 s28, s27;
	v47 =	vld.idx.msk [tilespmem:v0+s20+$0x470 ss:$0x1], $0xffff;
	[tilespmem:s22+$0x28A0 ss:$0x41] =	vst.msk $0xffff, v2  }
0x12: {  	[tilespmem:s22+$0x2CB0 ss:$0x41] =	vst.msk $0xffff, v3;
	v57 =	vld.idx.msk [tilespmem:v0+s25+$0x410 ss:$0x1], $0xffff  }
0x13: {  	[tilespmem:s22+$0x30C0 ss:$0x41] =	vst.msk $0xffff, v4;
	v58 =	vld.idx.msk [tilespmem:v0+s25+$0x420 ss:$0x1], $0xffff  }
0x14: {  	[tilespmem:s22+$0x34D0 ss:$0x41] =	vst.msk $0xffff, v5;
	s26 =	sand.u32 $0x3B00, s25;
	v59 =	vld.idx.msk [tilespmem:v0+s25+$0x430 ss:$0x1], $0xffff  }
0x15: {  	[tilespmem:s22+$0x38E0 ss:$0x41] =	vst.msk $0xffff, v6;
	v60 =	vld.idx.msk [tilespmem:v0+s25+$0x440 ss:$0x1], $0xffff;
	s19 =	sadd.s32 s26, s19;
	s26 =	sshra.s32 s23, $0x2  }
0x16: {  	v61 =	vld.idx.msk [tilespmem:v0+s25+$0x450 ss:$0x1], $0xffff;
	s20 =	sadd.s32 s26, s21;
	[tilespmem:s22+$0x3CF0 ss:$0x41] =	vst.msk $0xffff, v47  }
0x17: {  	s24 =	sand.u32 $0x80, s24;
	v62 =	vld.idx.msk [tilespmem:v0+s25+$0x460 ss:$0x1], $0xffff;
	[tilespmem:s20+$0x2490 ss:$0x41] =	vst.msk $0xffff, v57  }
0x18: {  	v63 =	vld.idx.msk [tilespmem:v0+s25+$0x470 ss:$0x1], $0xffff;
	s19 =	sadd.s32 s24, s19;
	[tilespmem:s20+$0x28A0 ss:$0x41] =	vst.msk $0xffff, v58  }
0x19: {  	v48 =	vld [tilespmem:s19+$0x400];
	[tilespmem:s20+$0x2CB0 ss:$0x41] =	vst.msk $0xffff, v59  }
0x1a: {  	v49 =	vld [tilespmem:s19+$0x0];
	[tilespmem:s20+$0x30C0 ss:$0x41] =	vst.msk $0xffff, v60  }
0x1b: {  	v50 =	vld [tilespmem:s19+$0x10];
	[tilespmem:s20+$0x34D0 ss:$0x41] =	vst.msk $0xffff, v61  }
0x1c: {  	v51 =	vld [tilespmem:s19+$0x20];
	[tilespmem:s20+$0x38E0 ss:$0x41] =	vst.msk $0xffff, v62  }
0x1d: {  	v52 =	vld [tilespmem:s19+$0x30];
	[tilespmem:s20+$0x3CF0 ss:$0x41] =	vst.msk $0xffff, v63  }
0x1e: {  	v53 =	vld [tilespmem:s19+$0x40];
	[tilespmem:s20+$0x2080 ss:$0x41] =	vst.msk $0xffff, v48  }
0x1f: {  	v54 =	vld [tilespmem:s19+$0x50];
	[tilespmem:s20+$0x0 ss:$0x41] =	vst.msk $0xffff, v49  }
0x20: {  	s17 =	sshll.u32 s17, $0x7;
	s27 =	sshll.u32 s14, $0x3;
	s16 =	sshll.u32 s16, $0x11;
	v55 =	vld [tilespmem:s19+$0x60];
	[tilespmem:s20+$0x410 ss:$0x41] =	vst.msk $0xffff, v50  }
0x21: {  	s15 =	sshll.u32 s15, $0xE;
	s28 =	sand.u32 $0x1FC00, s17;
	v56 =	vld [tilespmem:s19+$0x70];
	s19 =	sand.u32 $0x1FC00, s27;
	[tilespmem:s20+$0x820 ss:$0x41] =	vst.msk $0xffff, v51  }
0x22: {  	s29 =	sshrl.u32 s14, $0x3;
	s17 =	sand.u32 $0x380, s17;
	s19 =	sadd.s32 s19, s28;
	[tilespmem:s20+$0xC30 ss:$0x41] =	vst.msk $0xffff, v52  }
0x23: {  	s30 =	sand.u32 $0x7, s14;
	s16 =	sadd.s32 s4, s16;
	s17 =	sor.u32 s17, s19;
	[tilespmem:s20+$0x1040 ss:$0x41] =	vst.msk $0xffff, v53  }
0x24: {  	s15 =	sadd.s32 s15, s16;
	s19 =	sand.u32 $0xF, s29;
	s17 =	sshrl.u32 s17, $0x3;
	[tilespmem:s20+$0x1450 ss:$0x41] =	vst.msk $0xffff, v54  }
0x25: {  	s14 =	sshll.u32 s30, $0x12;
	s15 =	sadd.s32 s19, s15;
	s31 =	sand.u32 $0x3FF0, s17;
	[tilespmem:s20+$0x1860 ss:$0x41] =	vst.msk $0xffff, v55  }
0x26: {  	s14 =	sor.u32 $0x40, s14;
	[tilespmem:s20+$0x1C70 ss:$0x41] =	vst.msk $0xffff, v56;
	s15 =	sadd.s32 s31, s15  }
0x27: {  	[hbm4b:s15+s14] =	stream.strided.scatter [tilespmem:s18], [sflag:$0x2], $0x4000, s8, s14, $0x18;
	[tilespmem:$0x10200] =	vst v63  }
.LBB1_5:
0x28: {  	s18 =	sadd.s32 $0x100, s10  }
0x29: {  	s14 =	sadd.s32 $0x40, s11;
	s19 =	smov.u32 s11;
	p2 =	sgt.s32 s18, $0x3FF  }
0x2a: {  	s19 =	smov.u32 @p2 s14  }
0x2b: {  	s20 =	smov.u32 s12;
	s14 =	sadd.s32 $0x2, s12;
	p3 =	sgt.s32 s19, $0x3F  }
0x2c: {  	s20 =	smov.u32 @p3 s14  }
0x2d: {  	s21 =	smov.u32 s13;
	s14 =	sadd.s32 $0x10, s13;
	p4 =	sgt.s32 s20, $0x7  }
0x2e: {  	p1 =	slt.u32 s9, $0x2;
	s21 =	smov.u32 @p4 s14  }
0x2f: {  	s9 =	sadd.s32 $0x1, s9;
	s18 =	simm.s32 @p2 $0x0;
	p2 =	sgt.s32 s21, $0xF  }
0x30: {  	s17 =	smov.u32 s10;
	s21 =	smov.u32 @p2 s1;
	p2 =	sne.s32 s9, s7  }
.Ltmp1:
0x31: {  	s15 =	smov.u32 s12;
	s22 =	simm.s32 @!p1 $0x2;
	(pc) =	sbr.rel @!p2 .LBB1_6-.Ltmp1, $4  }
0x32: {  	s16 =	smov.u32 s13;
	p0 =	por !p0, !p0;
	_ =	swait.ge @!p1 [sflag:s22], $0x4000  }
0x33: {  	[sflag:s22] =	ssyncset.done @!p1 $0x0;
	s10 =	smov.u32 s18;
	s19 =	simm.s32 @p3 $0x0  }
0x34: {  	[sflag:s22] =	ssyncadd.s32 @!p1 $0xFFFFC000;
	s20 =	smov.u32 @p4 s3;
	s14 =	smov.u32 s11  }
0x35: {  	s11 =	smov.u32 s19;
	s12 =	smov.u32 s20;
	s13 =	smov.u32 s21  }
.LBB1_1:
0x36: {  	p1 =	sge.u32 s9, s6;
	s31 =	sadd.s32 $0xFFFFFFFF, s9  }
0x37: {  	s18 =	sxor.u32 @!p1 $0xFFFFFFFF, s9;
	s19 =	sshll.u32 @!p1 s11, $0x7;
	s20 =	sand.u32 @!p1 $0x78, s10  }
0x38: {  	s22 =	sshll.u32 @!p1 s12, $0xD;
	s18 =	sshll.u32 @!p1 s18, $0xE;
	s21 =	sand.u32 @!p1 $0x380, s19  }
0x39: {  	s19 =	sand.u32 @!p1 $0x1C00, s19;
	s20 =	sor.u32 @!p1 s20, s21;
	s21 =	sshll.u32 @!p1 s13, $0x10  }
0x3a: {  	s18 =	sand.u32 @!p1 $0x4000, s18;
	s19 =	sadd.s32 @!p1 s10, s19;
	s21 =	sadd.s32 @!p1 s2, s21  }
0x3b: {  	s20 =	sshrl.u32 @!p1 s20, $0x3;
	s21 =	sadd.s32 @!p1 s22, s21;
	s22 =	sand.u32 @!p1 $0x7, s10  }
0x3c: {  	s19 =	sand.u32 @!p1 $0x1F80, s19;
	s20 =	sadd.s32 @!p1 s20, s21;
	s21 =	sshll.u32 @!p1 s22, $0x12  }
0x3d: {  	s19 =	sadd.s32 @!p1 s19, s20;
	s20 =	sor.u32 @!p1 $0x800, s21;
	s21 =	simm.s32 @!p1 $0x2000  }
0x3e: {  	[tilespmem:s18], [sflag:$0x1] =	stream.strided.gather @!p1 [hbm4b:s19+s20], $0x4000, s21, s20, $0x38;
	[tilespmem:$0x10200] =	vst v63  }
0x3f: {  	p1 =	sge.u32 s31, s6  }
.Ltmp2:
0x40: {  	_ = 	snop;
	(pc) =	sbr.rel @p1 .LBB1_5-.Ltmp2, $1  }
0x41: {  	_ =	sdelay $0x3  }
0x42: {  	s21 =	simm.s32 $0x0  }
0x43: {  	s20 =	sand.u32 $0x3800, s21;
	s22 =	sand.u32 $0x380, s21  }
0x44: {  	s18 =	sand.u32 $0x1, s9;
	s20 =	sor.u32 s22, s20  }
0x45: {  	_ =	swait.ge [sflag:s5], $0x4000;
	s19 =	sshll.u32 s18, $0xE;
	s22 =	sand.u32 $0x3B00, s20  }
0x46: {  	[sflag:s5] =	ssyncset.done $0x0;
	s21 =	sand.u32 $0x80, s21;
	s22 =	sadd.s32 s22, s19  }
0x47: {  	[sflag:s5] =	ssyncadd.s32 $0xFFFFC000;
	s24 =	sadd.s32 s21, s22  }
0x48: {  	v4 =	vld [tilespmem:s24+$0x400]  }
0x49: {  	s23 =	simm.s32 $0x1;
	v5 =	vld [tilespmem:s24+$0x0]  }
0x4a: {  	s23 =	simm.s32 @!p0 $0x0;
	v6 =	vld [tilespmem:s24+$0x10]  }
0x4b: {  	v0 =	vmov s19;
	s31 =	smul.u32 $0x10400, s23;
	v7 =	vld [tilespmem:s24+$0x20]  }
0x4c: {  	v9 =	vld [tilespmem:s24+$0x30]  }
0x4d: {  	s21 =	sshrl.u32 s31, $0x2;
	v10 =	vld [tilespmem:s24+$0x40]  }
0x4e: {  	s21 =	sor.u32 $0x8000, s21;
	v11 =	vld [tilespmem:s24+$0x50]  }
0x4f: {  	v8 =	vld [tilespmem:s24+$0x60];
	s22 =	sadd.s32 $0x0, s21  }
0x50: {  	v1 =	vld.idx.msk [tilespmem:v0+s20+$0x410 ss:$0x1], $0xffff;
	[tilespmem:s22+$0x2080 ss:$0x41] =	vst.msk $0xffff, v4  }
0x51: {  	v2 =	vld.idx.msk [tilespmem:v0+s20+$0x420 ss:$0x1], $0xffff;
	[tilespmem:s22+$0x0 ss:$0x41] =	vst.msk $0xffff, v5  }
0x52: {  	v3 =	vld.idx.msk [tilespmem:v0+s20+$0x430 ss:$0x1], $0xffff;
	[tilespmem:s22+$0x410 ss:$0x41] =	vst.msk $0xffff, v6  }
0x53: {  	s18 =	smul.u32 $0x10400, s18;
	[tilespmem:s22+$0x820 ss:$0x41] =	vst.msk $0xffff, v7;
	v7 =	vld [tilespmem:s24+$0x70]  }
0x54: {  	s25 =	simm.s32 $0x100;
	s26 =	simm.s32 $0x8;
	[tilespmem:s22+$0xC30 ss:$0x41] =	vst.msk $0xffff, v9;
	v4 =	vld.idx.msk [tilespmem:v0+s20+$0x440 ss:$0x1], $0xffff  }
0x55: {  	s27 =	sand.u32 $0x3800, s25;
	s18 =	sshrl.u32 s18, $0x2;
	[tilespmem:s22+$0x1040 ss:$0x41] =	vst.msk $0xffff, v10;
	v5 =	vld.idx.msk [tilespmem:v0+s20+$0x450 ss:$0x1], $0xffff;
	s24 =	simm.s32 $0x80  }
0x56: {  	s23 =	simm.s32 $0x4;
	s18 =	sor.u32 $0x8000, s18;
	[tilespmem:s22+$0x1450 ss:$0x41] =	vst.msk $0xffff, v11;
	v6 =	vld.idx.msk [tilespmem:v0+s20+$0x460 ss:$0x1], $0xffff;
	s28 =	sand.u32 $0x380, s24  }
.LBB1_3:
0x57: {  	p1 =	sne.s32 s26, $0xFC;
	[tilespmem:s22+$0x1860 ss:$0x41] =	vst.msk $0xffff, v8;
	v8 =	vld.idx.msk [tilespmem:v0+s20+$0x470 ss:$0x1], $0xffff;
	s20 =	sor.u32 s28, s27  }
0x58: {  	s27 =	sand.u32 $0x3B00, s20;
	v9 =	vld.idx.msk [tilespmem:v0+s20+$0x410 ss:$0x1], $0xffff;
	[tilespmem:s22+$0x1C70 ss:$0x41] =	vst.msk $0xffff, v7  }
0x59: {  	s28 =	sand.u32 $0x80, s24;
	s27 =	sadd.s32 s27, s19;
	v7 =	vld.idx.msk [tilespmem:v0+s20+$0x420 ss:$0x1], $0xffff;
	[tilespmem:s22+$0x2490 ss:$0x41] =	vst.msk $0xffff, v1  }
0x5a: {  	s27 =	sadd.s32 s28, s27;
	v10 =	vld.idx.msk [tilespmem:v0+s20+$0x430 ss:$0x1], $0xffff;
	[tilespmem:s22+$0x28A0 ss:$0x41] =	vst.msk $0xffff, v2  }
0x5b: {  	v11 =	vld [tilespmem:s27+$0x400];
	[tilespmem:s22+$0x2CB0 ss:$0x41] =	vst.msk $0xffff, v3  }
0x5c: {  	v12 =	vld [tilespmem:s27+$0x0];
	[tilespmem:s22+$0x30C0 ss:$0x41] =	vst.msk $0xffff, v4  }
0x5d: {  	v4 =	vld [tilespmem:s27+$0x10];
	[tilespmem:s22+$0x34D0 ss:$0x41] =	vst.msk $0xffff, v5  }
0x5e: {  	s28 =	sshra.s32 s23, $0x2;
	s23 =	smov.u32 s26;
	v1 =	vmov v9;
	v5 =	vld [tilespmem:s27+$0x20];
	[tilespmem:s22+$0x38E0 ss:$0x41] =	vst.msk $0xffff, v6  }
0x5f: {  	v2 =	vmov v7;
	v6 =	vld [tilespmem:s27+$0x30];
	[tilespmem:s22+$0x3CF0 ss:$0x41] =	vst.msk $0xffff, v8;
	s22 =	sadd.s32 s28, s21  }
0x60: {  	v3 =	vmov v10;
	v9 =	vld [tilespmem:s27+$0x40];
	[tilespmem:s22+$0x2080 ss:$0x41] =	vst.msk $0xffff, v11  }
0x61: {  	[tilespmem:s22+$0x0 ss:$0x41] =	vst.msk $0xffff, v12;
	v10 =	vld [tilespmem:s27+$0x50]  }
.Ltmp3:
0x62: {  	[tilespmem:s22+$0x410 ss:$0x41] =	vst.msk $0xffff, v4;
	v8 =	vld [tilespmem:s27+$0x60];
	(pc) =	sbr.rel @p1 .LBB1_3-.Ltmp3, $4  }
0x63: {  	[tilespmem:s22+$0x820 ss:$0x41] =	vst.msk $0xffff, v5;
	v7 =	vld [tilespmem:s27+$0x70]  }
0x64: {  	[tilespmem:s22+$0xC30 ss:$0x41] =	vst.msk $0xffff, v6;
	v4 =	vld.idx.msk [tilespmem:v0+s20+$0x440 ss:$0x1], $0xffff  }
0x65: {  	s24 =	sadd.s32 $0x80, s24;
	s25 =	sadd.s32 $0x100, s25;
	[tilespmem:s22+$0x1040 ss:$0x41] =	vst.msk $0xffff, v9;
	v5 =	vld.idx.msk [tilespmem:v0+s20+$0x450 ss:$0x1], $0xffff  }
0x66: {  	s26 =	sadd.s32 $0x4, s26;
	s28 =	sand.u32 $0x380, s24;
	s27 =	sand.u32 $0x3800, s25;
	[tilespmem:s22+$0x1450 ss:$0x41] =	vst.msk $0xffff, v10;
	v6 =	vld.idx.msk [tilespmem:v0+s20+$0x460 ss:$0x1], $0xffff  }
.Ltmp4:
0x67: {  	_ = 	snop;
	(pc) =	sbr.rel .LBB1_4-.Ltmp4, $1  }
0x68: {  	_ =	sdelay $0x3  }
.LBB1_6:
0x69: {  	_ =	sfence.sel $0x180000  }
0x6a: {  	s2 =	simm.s32 $0x1;
	[bflag:$0x0] =	sbarrier.arrive $0xFFFF  }
0x6b: {  	s31 =	simm.s32 $0x2;
	[sflag:s2] =	ssyncpa.u1 $0x1  }
0x6c: {  	[sflag:s31] =	ssyncpa.u1 $0x1  }
0x6d: {  	p0 =	sne.s32 s1, $0x0;
	_ =	strace $0x90000047  }
0x6e: {  	s0 =	sadd.s32 @!p0 $0x100000, s0;
	[bflag:$0x2] =	sbarrier.arrive $0xFFFF  }
0x6f: {  	[sflag:s0] =	ssyncadd.tile.s32 @!p0 $0x1;
	_ =	shalt  }
.Lfunc_end1:
_tile_overlayer_lowered:
.L_overlay_start_2:
0x70: {  	(tag) =	ssettag $0x2  }
0x71: {  	s0 =	rddreg [dreg:$0x0];
	s2 =	stileid.u32  }
0x72: {  	s1 =	rddreg [dreg:$0x1];
	p0 =	sne.s32 s2, $0x0  }
0x73: {  	s3 =	rddreg [dreg:$0x2];
	[bflag:$0x3] =	sbarrier.arrive $0xFFFF;
	s2 =	simm.s32 @!p0 $0x1C01  }
0x74: {  	[timem:s3], [sflag:s2] =	dma.local @!p0 [hbm:s0], s1  }
0x75: {  	s0 =	simm.s32 @!p0 $0x1  }
0x76: {  	_ =	swait.ge @!p0 [sflag:s0], s1  }
0x77: {  	s1 =	ssub.s32 @!p0 $0x0, s1;
	[sflag:s0] =	ssyncset.done @!p0 $0x0  }
0x78: {  	[sflag:s0] =	ssyncadd.s32 @!p0 s1  }
0x79: {  	[bflag:$0x3] =	sbarrier.arrive $0xFFFF  }
0x7a: {  	_ =	shalt  }

</sc_bundles>
